<compile_context>
chip_gen: v7x
topology: tpu7x:2x2x1
jax: 0.10.2.dev20260603
libtpu: 0.0.44.dev20260713+nightly
codegen_flags: <defaults>
</compile_context>

<pallas_src>
import functools

import jax
import jax.numpy as jnp
from jax import lax
from jax.experimental import pallas as pl
from jax.experimental.pallas import tpu as pltpu
from jax.experimental.pallas import tpu_sc as plsc

N = 10000
E = 320000
F_IN = 128
HID = 64
C = 16
K = 10
ALPHA = 0.1

NS = 16
NC = 2
NW = NC * NS
N_PAD = 10240
RPT = N_PAD // NW
HALF = N_PAD // 2
CHUNK = 128
CPT = 80
CPT_A = CPT + 1
DUMMY = N + 8


def _mlp_body(x_ref, w1t_ref, b1_ref, w2t_ref, b2_ref, o_ref):
    h = jnp.maximum(
        jnp.dot(x_ref[...], w1t_ref[...], preferred_element_type=jnp.float32)
        + b1_ref[...],
        0.0,
    )
    o_ref[...] = (
        jnp.dot(h, w2t_ref[...], preferred_element_type=jnp.float32) + b2_ref[...]
    )


def _mlp(x, W1, b1, W2, b2):
    grid = (10,)
    bn = N // 10
    return pl.pallas_call(
        _mlp_body,
        grid=grid,
        in_specs=[
            pl.BlockSpec((bn, F_IN), lambda i: (i, 0)),
            pl.BlockSpec((F_IN, HID), lambda i: (0, 0)),
            pl.BlockSpec((1, HID), lambda i: (0, 0)),
            pl.BlockSpec((HID, C), lambda i: (0, 0)),
            pl.BlockSpec((1, C), lambda i: (0, 0)),
        ],
        out_specs=pl.BlockSpec((bn, C), lambda i: (i, 0)),
        out_shape=jax.ShapeDtypeStruct((N, C), jnp.float32),
    )(x, W1.T, b1[None, :], W2.T, b2[None, :])


def _logsoftmax_body(x_ref, o_ref):
    x = x_ref[...]
    m = jnp.max(x, axis=1, keepdims=True)
    s = x - m
    o_ref[...] = s - jnp.log(jnp.sum(jnp.exp(s), axis=1, keepdims=True))


def _logsoftmax(x):
    grid = (10,)
    bn = N // 10
    return pl.pallas_call(
        _logsoftmax_body,
        grid=grid,
        in_specs=[pl.BlockSpec((bn, C), lambda i: (i, 0))],
        out_specs=pl.BlockSpec((bn, C), lambda i: (i, 0)),
        out_shape=jax.ShapeDtypeStruct((N, C), jnp.float32),
    )(x)


def _rsqrt16(d):
    a = 1.0 / d
    x = jnp.full((C,), 0.04, jnp.float32)
    for _ in range(12):
        x = 0.5 * (x + a / x)
    return x


def _propagate_body(row_h, col_h, z_h, out_h, aggd_h,
                    row_v, col_v, gbuf0, gbuf1, gbuf2, gbuf3,
                    gbuf4, gbuf5, gbuf6, gbuf7, zrow_v, dinvb_v,
                    outs_v, agg_v, sum_v, zeros_v, outs_sh, agg_sh,
                    gsem0, gsem1, gsem2, gsem3, gsem4, gsem5, gsem6, gsem7,
                    ssem0, ssem1, ssem2, ssem3, ssem4, ssem5, ssem6, ssem7,
                    xsem1, xsem2):
    cid = lax.axis_index("c")
    sid = lax.axis_index("s")
    wid = cid * NS + sid
    mwid = (1 - cid) * NS + sid
    base = pl.multiple_of(wid * RPT, 8)
    mbase = pl.multiple_of(mwid * RPT, 8)

    pltpu.sync_copy(row_h.at[wid], row_v)
    pltpu.sync_copy(col_h.at[wid], col_v)
    pltpu.sync_copy(z_h.at[pl.ds(base, RPT)], zrow_v)

    one16 = jnp.ones((C,), jnp.float32)
    zero16 = jnp.zeros((C,), jnp.float32)

    def fill_ones(i, c):
        gbuf0[i, :] = one16
        return c

    lax.fori_loop(0, CHUNK, fill_ones, 0)

    def fill_zeros(i, c):
        zeros_v[i, :] = zero16
        return c

    lax.fori_loop(0, RPT, fill_zeros, 0)

    pltpu.sync_copy(zeros_v, agg_sh.at[pl.ds(base, RPT)])
    pltpu.sync_copy(zeros_v, agg_sh.at[pl.ds(mbase, RPT)])
    plsc.subcore_barrier()

    def exchange(is_count, r):
        pltpu.sync_copy(agg_sh.at[pl.ds(base, RPT)], agg_v)
        pltpu.sync_copy(agg_sh.at[pl.ds(mbase, RPT)],
                        aggd_h.at[cid, pl.ds(mbase, RPT)])
        pltpu.sync_copy(zeros_v, agg_sh.at[pl.ds(base, RPT)])
        pltpu.sync_copy(zeros_v, agg_sh.at[pl.ds(mbase, RPT)])
        pl.semaphore_signal(xsem1, 1, core_index=1 - cid)
        pl.semaphore_wait(xsem1, 1)
        pltpu.sync_copy(aggd_h.at[1 - cid, pl.ds(base, RPT)], sum_v)

        if is_count:
            def body(i, cc):
                d = agg_v[i, :] + sum_v[i, :] + 1.0
                y = _rsqrt16(d)
                dinvb_v[i, :] = y
                outs_v[i, :] = zrow_v[i, :] * y
                return cc
        else:
            is_last = r == (K - 1)

            def body(i, cc):
                db = dinvb_v[i, :]
                newout = (1.0 - ALPHA) * db \
                    * (agg_v[i, :] + sum_v[i, :] + outs_v[i, :]) \
                    + ALPHA * zrow_v[i, :]
                outs_v[i, :] = jnp.where(is_last, newout, newout * db)
                return cc

        lax.fori_loop(0, RPT, body, 0)
        pltpu.sync_copy(outs_v, out_h.at[pl.ds(base, RPT)])
        pltpu.sync_copy(outs_v, outs_sh.at[pl.ds(base, RPT)])
        pl.semaphore_signal(xsem2, 1, core_index=1 - cid)
        pl.semaphore_wait(xsem2, 1)
        pltpu.sync_copy(out_h.at[pl.ds(mbase, RPT)],
                        outs_sh.at[pl.ds(mbase, RPT)])
        plsc.subcore_barrier()

    def count(i, c):
        pltpu.sync_copy(gbuf0, agg_sh.at[col_v.at[i]], add=True)
        return c

    lax.fori_loop(0, CPT, count, 0)
    plsc.subcore_barrier()
    exchange(True, 0)

    zchunk = zeros_v.at[pl.ds(0, CHUNK)]
    dummy_idx = row_v.at[CPT]

    gbufs = [gbuf0, gbuf1, gbuf2, gbuf3, gbuf4, gbuf5, gbuf6, gbuf7]
    gsems = [gsem0, gsem1, gsem2, gsem3, gsem4, gsem5, gsem6, gsem7]
    ssems = [ssem0, ssem1, ssem2, ssem3, ssem4, ssem5, ssem6, ssem7]
    DEPTH = 8

    def gwait(b):
        pltpu.make_async_copy(outs_sh.at[row_v.at[0]], gbufs[b],
                              gsems[b]).wait()

    def swait(b):
        pltpu.make_async_copy(zchunk, agg_sh.at[dummy_idx], ssems[b]).wait()

    def round_body(r, c):
        for b in range(1, DEPTH):
            pltpu.async_copy(zchunk, agg_sh.at[dummy_idx], ssems[b],
                             add=True)
        pltpu.async_copy(outs_sh.at[row_v.at[0]], gbuf0, gsem0)

        def edge_blk(j, cc):
            i0 = DEPTH * j
            for b in range(DEPTH):
                i = i0 + b
                bn = (b + 1) % DEPTH
                gwait(b)
                swait(bn)
                pltpu.async_copy(outs_sh.at[row_v.at[i + 1]], gbufs[bn],
                                 gsems[bn])
                pltpu.async_copy(gbufs[b], agg_sh.at[col_v.at[i]], ssems[b],
                                 add=True)
            return cc

        lax.fori_loop(0, CPT // DEPTH, edge_blk, 0)
        gwait(0)
        for b in range(1, DEPTH):
            swait(b)
        plsc.subcore_barrier()
        exchange(False, r)
        return c

    lax.fori_loop(0, K, round_body, 0)


def _propagate(row_t, col_t, z_pad):
    mesh = plsc.VectorSubcoreMesh(
        core_axis_name="c", subcore_axis_name="s", num_cores=NC
    )
    out, _ = pl.kernel(
        _propagate_body,
        out_type=[
            jax.ShapeDtypeStruct((N_PAD, C), jnp.float32),
            jax.ShapeDtypeStruct((NC, N_PAD, C), jnp.float32),
        ],
        mesh=mesh,
        compiler_params=pltpu.CompilerParams(use_tc_tiling_on_sc=False),
        scratch_types=[
            pltpu.VMEM((CPT_A, CHUNK), jnp.int32),
            pltpu.VMEM((CPT_A, CHUNK), jnp.int32),
            pltpu.VMEM((CHUNK, C), jnp.float32),
            pltpu.VMEM((CHUNK, C), jnp.float32),
            pltpu.VMEM((CHUNK, C), jnp.float32),
            pltpu.VMEM((CHUNK, C), jnp.float32),
            pltpu.VMEM((CHUNK, C), jnp.float32),
            pltpu.VMEM((CHUNK, C), jnp.float32),
            pltpu.VMEM((CHUNK, C), jnp.float32),
            pltpu.VMEM((CHUNK, C), jnp.float32),
            pltpu.VMEM((RPT, C), jnp.float32),
            pltpu.VMEM((RPT, C), jnp.float32),
            pltpu.VMEM((RPT, C), jnp.float32),
            pltpu.VMEM((RPT, C), jnp.float32),
            pltpu.VMEM((RPT, C), jnp.float32),
            pltpu.VMEM((RPT, C), jnp.float32),
            pltpu.VMEM_SHARED((N_PAD, C), jnp.float32),
            pltpu.VMEM_SHARED((N_PAD, C), jnp.float32),
            pltpu.SemaphoreType.DMA,
            pltpu.SemaphoreType.DMA,
            pltpu.SemaphoreType.DMA,
            pltpu.SemaphoreType.DMA,
            pltpu.SemaphoreType.DMA,
            pltpu.SemaphoreType.DMA,
            pltpu.SemaphoreType.DMA,
            pltpu.SemaphoreType.DMA,
            pltpu.SemaphoreType.DMA,
            pltpu.SemaphoreType.DMA,
            pltpu.SemaphoreType.DMA,
            pltpu.SemaphoreType.DMA,
            pltpu.SemaphoreType.DMA,
            pltpu.SemaphoreType.DMA,
            pltpu.SemaphoreType.DMA,
            pltpu.SemaphoreType.DMA,
            pltpu.SemaphoreType.REGULAR,
            pltpu.SemaphoreType.REGULAR,
        ],
    )(row_t, col_t, z_pad)
    return out


@jax.jit
def kernel(x, edge_index, W1, b1, W2, b2):
    z = _mlp(x, W1, b1, W2, b2)

    pad = jnp.full((NW * CPT * CHUNK - E,), DUMMY, jnp.int32)
    dchunk = jnp.full((NW, 1, CHUNK), DUMMY, jnp.int32)

    def _layout(e):
        t = jnp.concatenate([e, pad]).reshape(NW, CPT, CHUNK)
        return jnp.concatenate([t, dchunk], axis=1)

    row_t = _layout(edge_index[0])
    col_t = _layout(edge_index[1])
    z_pad = jnp.pad(z, ((0, N_PAD - N), (0, 0)))

    out = _propagate(row_t, col_t, z_pad)
    return _logsoftmax(out[:N])

# --- scband reference (transcript-rebuilt; emitter-appended) ---
"""Pipeline reference for scband-appnp-net-91207925498524 (READ-ONLY COPY).

The authoritative reference and input builder live on the scoring server;
editing this copy changes nothing except your own understanding.
"""

import jax, jax.numpy as jnp
import numpy as np

N = 10000
E = 320000
F_IN = 128
HID = 64
C = 16
K = 10
ALPHA = 0.1


def setup_inputs(seed: int = 0) -> dict:
    key = jax.random.key(seed)
    k1, k2, k3, k4, k5, k6 = jax.random.split(key, 6)
    x = jax.random.normal(k1, (N, F_IN), dtype=jnp.float32)
    edge_index = jax.random.randint(k2, (2, E), 0, N, dtype=jnp.int32)
    # Learned params (PyTorch Linear: y = x @ W.T + b)
    W1 = jax.random.normal(k3, (HID, F_IN), dtype=jnp.float32) * (1.0 / np.sqrt(F_IN))
    b1 = jax.random.normal(k4, (HID,), dtype=jnp.float32) * 0.01
    W2 = jax.random.normal(k5, (C, HID), dtype=jnp.float32) * (1.0 / np.sqrt(HID))
    b2 = jax.random.normal(k6, (C,), dtype=jnp.float32) * 0.01
    return {"x": x, "edge_index": edge_index, "W1": W1, "b1": b1, "W2": W2, "b2": b2}


def reference(x, edge_index, W1, b1, W2, b2):
    # Eval mode: dropout is identity.
    h = jax.nn.relu(x @ W1.T + b1)
    z = h @ W2.T + b2
    # APPNP propagation with GCN normalization (A + I, symmetric norm)
    ar = jnp.arange(N, dtype=edge_index.dtype)
    row = jnp.concatenate([edge_index[0], ar])
    col = jnp.concatenate([edge_index[1], ar])
    deg = jax.ops.segment_sum(jnp.ones(row.shape[0], dtype=jnp.float32), col, num_segments=N)
    dinv = jnp.where(deg > 0, deg ** -0.5, 0.0)
    norm = dinv[row] * dinv[col]
    out = z
    for _ in range(K):
        msg = out[row] * norm[:, None]
        agg = jax.ops.segment_sum(msg, col, num_segments=N)
        out = (1.0 - ALPHA) * agg + ALPHA * z
    return jax.nn.log_softmax(out, axis=1)

if __name__ == "__main__":
    import jax
    _d = setup_inputs()
    print(jax.jit(kernel)(*tuple(_d.values())))

</pallas_src>

<mosaic_0001>
#map = affine_map<(d0, d1) -> (0, 0, 0)>
#map1 = affine_map<(d0, d1) -> (0, 0)>
module attributes {stable_mosaic.version = 14 : i64} {
  func.func @_propagate_body(%arg0: i32, %arg1: i32, %arg2: memref<32x81x128xi32, #tpu.memory_space<hbm>>, %arg3: memref<32x81x128xi32, #tpu.memory_space<hbm>>, %arg4: memref<10240x16xf32, #tpu.memory_space<hbm>>, %arg5: memref<10240x16xf32, #tpu.memory_space<hbm>>, %arg6: memref<2x10240x16xf32, #tpu.memory_space<hbm>>, %arg7: memref<81x128xi32, #tpu.memory_space<vmem>>, %arg8: memref<81x128xi32, #tpu.memory_space<vmem>>, %arg9: memref<128x16xf32, #tpu.memory_space<vmem>>, %arg10: memref<128x16xf32, #tpu.memory_space<vmem>>, %arg11: memref<128x16xf32, #tpu.memory_space<vmem>>, %arg12: memref<128x16xf32, #tpu.memory_space<vmem>>, %arg13: memref<128x16xf32, #tpu.memory_space<vmem>>, %arg14: memref<128x16xf32, #tpu.memory_space<vmem>>, %arg15: memref<128x16xf32, #tpu.memory_space<vmem>>, %arg16: memref<128x16xf32, #tpu.memory_space<vmem>>, %arg17: memref<320x16xf32, #tpu.memory_space<vmem>>, %arg18: memref<320x16xf32, #tpu.memory_space<vmem>>, %arg19: memref<320x16xf32, #tpu.memory_space<vmem>>, %arg20: memref<320x16xf32, #tpu.memory_space<vmem>>, %arg21: memref<320x16xf32, #tpu.memory_space<vmem>>, %arg22: memref<320x16xf32, #tpu.memory_space<vmem>>, %arg23: memref<10240x16xf32, #tpu.memory_space<vmem_shared>>, %arg24: memref<10240x16xf32, #tpu.memory_space<vmem_shared>>, %arg25: memref<!tpu.dma_semaphore, #tpu.memory_space<semaphore_mem>>, %arg26: memref<!tpu.dma_semaphore, #tpu.memory_space<semaphore_mem>>, %arg27: memref<!tpu.dma_semaphore, #tpu.memory_space<semaphore_mem>>, %arg28: memref<!tpu.dma_semaphore, #tpu.memory_space<semaphore_mem>>, %arg29: memref<!tpu.dma_semaphore, #tpu.memory_space<semaphore_mem>>, %arg30: memref<!tpu.dma_semaphore, #tpu.memory_space<semaphore_mem>>, %arg31: memref<!tpu.dma_semaphore, #tpu.memory_space<semaphore_mem>>, %arg32: memref<!tpu.dma_semaphore, #tpu.memory_space<semaphore_mem>>, %arg33: memref<!tpu.dma_semaphore, #tpu.memory_space<semaphore_mem>>, %arg34: memref<!tpu.dma_semaphore, #tpu.memory_space<semaphore_mem>>, %arg35: memref<!tpu.dma_semaphore, #tpu.memory_space<semaphore_mem>>, %arg36: memref<!tpu.dma_semaphore, #tpu.memory_space<semaphore_mem>>, %arg37: memref<!tpu.dma_semaphore, #tpu.memory_space<semaphore_mem>>, %arg38: memref<!tpu.dma_semaphore, #tpu.memory_space<semaphore_mem>>, %arg39: memref<!tpu.dma_semaphore, #tpu.memory_space<semaphore_mem>>, %arg40: memref<!tpu.dma_semaphore, #tpu.memory_space<semaphore_mem>>, %arg41: memref<!tpu.semaphore, #tpu.memory_space<semaphore_mem>>, %arg42: memref<!tpu.semaphore, #tpu.memory_space<semaphore_mem>>) attributes {dimension_semantics = [#tpu.dimension_semantics<core_parallel>, #tpu.dimension_semantics<subcore_parallel>], iteration_bounds = array<i64: 2, 16>, scalar_prefetch = 0 : i64, scratch_operands = 36 : i64, tpu.core_type = #tpu.core_type<sc_vector_subcore>, window_params = [{transform_indices = #map}, {transform_indices = #map}, {transform_indices = #map1}, {transform_indices = #map1}, {transform_indices = #map}]} {
    %mul3A = arith.constant 16 : i32
    %mul3A_0 = arith.muli %arg0, %mul3A : i32
    %add3A = arith.addi %mul3A_0, %arg1 : i32
    %sub3A = arith.constant 1 : i32
    %sub3A_1 = arith.subi %sub3A, %arg0 : i32
    %mul3A_2 = arith.constant 16 : i32
    %mul3A_3 = arith.muli %sub3A_1, %mul3A_2 : i32
    %add3A_4 = arith.addi %mul3A_3, %arg1 : i32
    %mul3A_5 = arith.constant 320 : i32
    %mul3A_6 = arith.muli %add3A, %mul3A_5 : i32
    %multiple_of3A = tpu.assume_multiple %mul3A_6, 8 : i32
    %mul3A_7 = arith.constant 320 : i32
    %mul3A_8 = arith.muli %add3A_4, %mul3A_7 : i32
    %multiple_of3A_9 = tpu.assume_multiple %mul3A_8, 8 : i32
    "tpu.region"() ({
      %run_scoped3A = tpu.sem_alloc : memref<!tpu.dma_semaphore, #tpu.memory_space<semaphore_mem>>
      %dma_start3A = arith.constant 0 : i32
      %dma_start3A_55 = arith.constant 0 : i32
      %dma_start3A_56 = tpu.memref_slice %arg2[%add3A, %dma_start3A, %dma_start3A_55] : memref<32x81x128xi32, #tpu.memory_space<hbm>> -> memref<1x81x128xi32, #tpu.memory_space<hbm>>
      %dma_start3A_57 = tpu.memref_squeeze %dma_start3A_56 : memref<1x81x128xi32, #tpu.memory_space<hbm>> -> memref<81x128xi32, #tpu.memory_space<hbm>>
      %dma_start3A_58 = arith.constant 0 : i32
      %dma_start3A_59 = arith.constant 0 : i32
      %dma_start3A_60 = tpu.memref_slice %arg2[%add3A, %dma_start3A_58, %dma_start3A_59] : memref<32x81x128xi32, #tpu.memory_space<hbm>> -> memref<1x81x128xi32, #tpu.memory_space<hbm>>
      %dma_start3A_61 = tpu.memref_squeeze %dma_start3A_60 : memref<1x81x128xi32, #tpu.memory_space<hbm>> -> memref<81x128xi32, #tpu.memory_space<hbm>>
      tpu.enqueue_dma source(%dma_start3A_61 : memref<81x128xi32, #tpu.memory_space<hbm>>) target(%arg7 : memref<81x128xi32, #tpu.memory_space<vmem>>) target_semaphore(%run_scoped3A : memref<!tpu.dma_semaphore, #tpu.memory_space<semaphore_mem>>)
      %dma_wait3A = arith.constant 0 : i32
      %dma_wait3A_62 = arith.constant 0 : i32
      %dma_wait3A_63 = tpu.memref_slice %arg2[%add3A, %dma_wait3A, %dma_wait3A_62] : memref<32x81x128xi32, #tpu.memory_space<hbm>> -> memref<1x81x128xi32, #tpu.memory_space<hbm>>
      %dma_wait3A_64 = tpu.memref_squeeze %dma_wait3A_63 : memref<1x81x128xi32, #tpu.memory_space<hbm>> -> memref<81x128xi32, #tpu.memory_space<hbm>>
      %dma_wait3A_65 = arith.constant 0 : i32
      %dma_wait3A_66 = arith.constant 0 : i32
      %dma_wait3A_67 = tpu.memref_slice %arg2[%add3A, %dma_wait3A_65, %dma_wait3A_66] : memref<32x81x128xi32, #tpu.memory_space<hbm>> -> memref<1x81x128xi32, #tpu.memory_space<hbm>>
      %dma_wait3A_68 = tpu.memref_squeeze %dma_wait3A_67 : memref<1x81x128xi32, #tpu.memory_space<hbm>> -> memref<81x128xi32, #tpu.memory_space<hbm>>
      tpu.wait_dma2 semaphore(%run_scoped3A : memref<!tpu.dma_semaphore, #tpu.memory_space<semaphore_mem>>) src(%dma_wait3A_68 : memref<81x128xi32, #tpu.memory_space<hbm>>) dst(%arg7 : memref<81x128xi32, #tpu.memory_space<vmem>>)
      tpu.yield
    }) : () -> ()
    "tpu.region"() ({
      %run_scoped3A = tpu.sem_alloc : memref<!tpu.dma_semaphore, #tpu.memory_space<semaphore_mem>>
      %dma_start3A = arith.constant 0 : i32
      %dma_start3A_55 = arith.constant 0 : i32
      %dma_start3A_56 = tpu.memref_slice %arg3[%add3A, %dma_start3A, %dma_start3A_55] : memref<32x81x128xi32, #tpu.memory_space<hbm>> -> memref<1x81x128xi32, #tpu.memory_space<hbm>>
      %dma_start3A_57 = tpu.memref_squeeze %dma_start3A_56 : memref<1x81x128xi32, #tpu.memory_space<hbm>> -> memref<81x128xi32, #tpu.memory_space<hbm>>
      %dma_start3A_58 = arith.constant 0 : i32
      %dma_start3A_59 = arith.constant 0 : i32
      %dma_start3A_60 = tpu.memref_slice %arg3[%add3A, %dma_start3A_58, %dma_start3A_59] : memref<32x81x128xi32, #tpu.memory_space<hbm>> -> memref<1x81x128xi32, #tpu.memory_space<hbm>>
      %dma_start3A_61 = tpu.memref_squeeze %dma_start3A_60 : memref<1x81x128xi32, #tpu.memory_space<hbm>> -> memref<81x128xi32, #tpu.memory_space<hbm>>
      tpu.enqueue_dma source(%dma_start3A_61 : memref<81x128xi32, #tpu.memory_space<hbm>>) target(%arg8 : memref<81x128xi32, #tpu.memory_space<vmem>>) target_semaphore(%run_scoped3A : memref<!tpu.dma_semaphore, #tpu.memory_space<semaphore_mem>>)
      %dma_wait3A = arith.constant 0 : i32
      %dma_wait3A_62 = arith.constant 0 : i32
      %dma_wait3A_63 = tpu.memref_slice %arg3[%add3A, %dma_wait3A, %dma_wait3A_62] : memref<32x81x128xi32, #tpu.memory_space<hbm>> -> memref<1x81x128xi32, #tpu.memory_space<hbm>>
      %dma_wait3A_64 = tpu.memref_squeeze %dma_wait3A_63 : memref<1x81x128xi32, #tpu.memory_space<hbm>> -> memref<81x128xi32, #tpu.memory_space<hbm>>
      %dma_wait3A_65 = arith.constant 0 : i32
      %dma_wait3A_66 = arith.constant 0 : i32
      %dma_wait3A_67 = tpu.memref_slice %arg3[%add3A, %dma_wait3A_65, %dma_wait3A_66] : memref<32x81x128xi32, #tpu.memory_space<hbm>> -> memref<1x81x128xi32, #tpu.memory_space<hbm>>
      %dma_wait3A_68 = tpu.memref_squeeze %dma_wait3A_67 : memref<1x81x128xi32, #tpu.memory_space<hbm>> -> memref<81x128xi32, #tpu.memory_space<hbm>>
      tpu.wait_dma2 semaphore(%run_scoped3A : memref<!tpu.dma_semaphore, #tpu.memory_space<semaphore_mem>>) src(%dma_wait3A_68 : memref<81x128xi32, #tpu.memory_space<hbm>>) dst(%arg8 : memref<81x128xi32, #tpu.memory_space<vmem>>)
      tpu.yield
    }) : () -> ()
    "tpu.region"() ({
      %run_scoped3A = tpu.sem_alloc : memref<!tpu.dma_semaphore, #tpu.memory_space<semaphore_mem>>
      %dma_start3A = arith.constant 0 : i32
      %dma_start3A_55 = tpu.memref_slice %arg4[%multiple_of3A, %dma_start3A] : memref<10240x16xf32, #tpu.memory_space<hbm>> -> memref<320x16xf32, #tpu.memory_space<hbm>>
      %dma_start3A_56 = arith.constant 0 : i32
      %dma_start3A_57 = tpu.memref_slice %arg4[%multiple_of3A, %dma_start3A_56] : memref<10240x16xf32, #tpu.memory_space<hbm>> -> memref<320x16xf32, #tpu.memory_space<hbm>>
      tpu.enqueue_dma source(%dma_start3A_57 : memref<320x16xf32, #tpu.memory_space<hbm>>) target(%arg17 : memref<320x16xf32, #tpu.memory_space<vmem>>) target_semaphore(%run_scoped3A : memref<!tpu.dma_semaphore, #tpu.memory_space<semaphore_mem>>)
      %dma_wait3A = arith.constant 0 : i32
      %dma_wait3A_58 = tpu.memref_slice %arg4[%multiple_of3A, %dma_wait3A] : memref<10240x16xf32, #tpu.memory_space<hbm>> -> memref<320x16xf32, #tpu.memory_space<hbm>>
      %dma_wait3A_59 = arith.constant 0 : i32
      %dma_wait3A_60 = tpu.memref_slice %arg4[%multiple_of3A, %dma_wait3A_59] : memref<10240x16xf32, #tpu.memory_space<hbm>> -> memref<320x16xf32, #tpu.memory_space<hbm>>
      tpu.wait_dma2 semaphore(%run_scoped3A : memref<!tpu.dma_semaphore, #tpu.memory_space<semaphore_mem>>) src(%dma_wait3A_60 : memref<320x16xf32, #tpu.memory_space<hbm>>) dst(%arg17 : memref<320x16xf32, #tpu.memory_space<vmem>>)
      tpu.yield
    }) : () -> ()
    %broadcast_in_dim3A = arith.constant 1.000000e+00 : f32
    %broadcast_in_dim3A_10 = vector.broadcast %broadcast_in_dim3A : f32 to vector<16xf32>
    %broadcast_in_dim3A_11 = arith.constant 0.000000e+00 : f32
    %broadcast_in_dim3A_12 = vector.broadcast %broadcast_in_dim3A_11 : f32 to vector<16xf32>
    %scan3A = arith.constant 0 : i32
    %scan3A_13 = arith.constant 0 : i32
    %scan3A_14 = arith.constant 128 : i32
    %scan3A_15 = arith.addi %scan3A_13, %scan3A_14 : i32
    %scan3A_16 = arith.constant 1 : i32
    scf.for %scan3A_55 = %scan3A_13 to %scan3A_15 step %scan3A_16  : i32 {
      %swap3A = arith.index_cast %scan3A_55 : i32 to index
      %swap3A_56 = arith.constant 0 : index
      %swap3A_57 = tpu.vector_load %arg9[%swap3A, %swap3A_56] {strides = array<i32>} : memref<128x16xf32, #tpu.memory_space<vmem>>, vector<1x16xf32>,
      %swap3A_58 = vector.shape_cast %swap3A_57 : vector<1x16xf32> to vector<16xf32>
      %swap3A_59 = vector.shape_cast %broadcast_in_dim3A_10 : vector<16xf32> to vector<1x16xf32>
      tpu.vector_store %arg9[%swap3A, %swap3A_56], %swap3A_59 {strides = array<i32>} : memref<128x16xf32, #tpu.memory_space<vmem>>, vector<1x16xf32>,
    }
    %scan3A_17 = arith.constant 128 : i32
    %scan3A_18 = arith.constant 0 : i32
    %scan3A_19 = arith.constant 0 : i32
    %scan3A_20 = arith.constant 320 : i32
    %scan3A_21 = arith.addi %scan3A_19, %scan3A_20 : i32
    %scan3A_22 = arith.constant 1 : i32
    scf.for %scan3A_55 = %scan3A_19 to %scan3A_21 step %scan3A_22  : i32 {
      %swap3A = arith.index_cast %scan3A_55 : i32 to index
      %swap3A_56 = arith.constant 0 : index
      %swap3A_57 = tpu.vector_load %arg22[%swap3A, %swap3A_56] {strides = array<i32>} : memref<320x16xf32, #tpu.memory_space<vmem>>, vector<1x16xf32>,
      %swap3A_58 = vector.shape_cast %swap3A_57 : vector<1x16xf32> to vector<16xf32>
      %swap3A_59 = vector.shape_cast %broadcast_in_dim3A_12 : vector<16xf32> to vector<1x16xf32>
      tpu.vector_store %arg22[%swap3A, %swap3A_56], %swap3A_59 {strides = array<i32>} : memref<320x16xf32, #tpu.memory_space<vmem>>, vector<1x16xf32>,
    }
    %scan3A_23 = arith.constant 320 : i32
    "tpu.region"() ({
      %run_scoped3A = tpu.sem_alloc : memref<!tpu.dma_semaphore, #tpu.memory_space<semaphore_mem>>
      %dma_start3A = arith.constant 0 : i32
      %dma_start3A_55 = tpu.memref_slice %arg24[%multiple_of3A, %dma_start3A] : memref<10240x16xf32, #tpu.memory_space<vmem_shared>> -> memref<320x16xf32, #tpu.memory_space<vmem_shared>>
      %dma_start3A_56 = arith.constant 0 : i32
      %dma_start3A_57 = tpu.memref_slice %arg24[%multiple_of3A, %dma_start3A_56] : memref<10240x16xf32, #tpu.memory_space<vmem_shared>> -> memref<320x16xf32, #tpu.memory_space<vmem_shared>>
      tpu.enqueue_dma source(%arg22 : memref<320x16xf32, #tpu.memory_space<vmem>>) target(%dma_start3A_57 : memref<320x16xf32, #tpu.memory_space<vmem_shared>>) target_semaphore(%run_scoped3A : memref<!tpu.dma_semaphore, #tpu.memory_space<semaphore_mem>>)
      %dma_wait3A = arith.constant 0 : i32
      %dma_wait3A_58 = tpu.memref_slice %arg24[%multiple_of3A, %dma_wait3A] : memref<10240x16xf32, #tpu.memory_space<vmem_shared>> -> memref<320x16xf32, #tpu.memory_space<vmem_shared>>
      %dma_wait3A_59 = arith.constant 0 : i32
      %dma_wait3A_60 = tpu.memref_slice %arg24[%multiple_of3A, %dma_wait3A_59] : memref<10240x16xf32, #tpu.memory_space<vmem_shared>> -> memref<320x16xf32, #tpu.memory_space<vmem_shared>>
      tpu.wait_dma2 semaphore(%run_scoped3A : memref<!tpu.dma_semaphore, #tpu.memory_space<semaphore_mem>>) src(%arg22 : memref<320x16xf32, #tpu.memory_space<vmem>>) dst(%dma_wait3A_60 : memref<320x16xf32, #tpu.memory_space<vmem_shared>>)
      tpu.yield
    }) : () -> ()
    "tpu.region"() ({
      %run_scoped3A = tpu.sem_alloc : memref<!tpu.dma_semaphore, #tpu.memory_space<semaphore_mem>>
      %dma_start3A = arith.constant 0 : i32
      %dma_start3A_55 = tpu.memref_slice %arg24[%multiple_of3A_9, %dma_start3A] : memref<10240x16xf32, #tpu.memory_space<vmem_shared>> -> memref<320x16xf32, #tpu.memory_space<vmem_shared>>
      %dma_start3A_56 = arith.constant 0 : i32
      %dma_start3A_57 = tpu.memref_slice %arg24[%multiple_of3A_9, %dma_start3A_56] : memref<10240x16xf32, #tpu.memory_space<vmem_shared>> -> memref<320x16xf32, #tpu.memory_space<vmem_shared>>
      tpu.enqueue_dma source(%arg22 : memref<320x16xf32, #tpu.memory_space<vmem>>) target(%dma_start3A_57 : memref<320x16xf32, #tpu.memory_space<vmem_shared>>) target_semaphore(%run_scoped3A : memref<!tpu.dma_semaphore, #tpu.memory_space<semaphore_mem>>)
      %dma_wait3A = arith.constant 0 : i32
      %dma_wait3A_58 = tpu.memref_slice %arg24[%multiple_of3A_9, %dma_wait3A] : memref<10240x16xf32, #tpu.memory_space<vmem_shared>> -> memref<320x16xf32, #tpu.memory_space<vmem_shared>>
      %dma_wait3A_59 = arith.constant 0 : i32
      %dma_wait3A_60 = tpu.memref_slice %arg24[%multiple_of3A_9, %dma_wait3A_59] : memref<10240x16xf32, #tpu.memory_space<vmem_shared>> -> memref<320x16xf32, #tpu.memory_space<vmem_shared>>
      tpu.wait_dma2 semaphore(%run_scoped3A : memref<!tpu.dma_semaphore, #tpu.memory_space<semaphore_mem>>) src(%arg22 : memref<320x16xf32, #tpu.memory_space<vmem>>) dst(%dma_wait3A_60 : memref<320x16xf32, #tpu.memory_space<vmem_shared>>)
      tpu.yield
    }) : () -> ()
    %barrier3A = arith.constant 0 : index
    tpu.barrier barrier_id(%barrier3A)
    %scan3A_24 = arith.constant 0 : i32
    %scan3A_25 = arith.constant 0 : i32
    %scan3A_26 = arith.constant 80 : i32
    %scan3A_27 = arith.addi %scan3A_25, %scan3A_26 : i32
    %scan3A_28 = arith.constant 1 : i32
    scf.for %scan3A_55 = %scan3A_25 to %scan3A_27 step %scan3A_28  : i32 {
      "tpu.region"() ({
        %run_scoped3A = tpu.sem_alloc : memref<!tpu.dma_semaphore, #tpu.memory_space<semaphore_mem>>
        %dma_start3A = arith.constant 0 : i32
        %dma_start3A_56 = tpu.memref_slice %arg8[%scan3A_55, %dma_start3A] : memref<81x128xi32, #tpu.memory_space<vmem>> -> memref<1x128xi32, #tpu.memory_space<vmem>>
        %dma_start3A_57 = tpu.memref_squeeze %dma_start3A_56 : memref<1x128xi32, #tpu.memory_space<vmem>> -> memref<128xi32, #tpu.memory_space<vmem>>
        %dma_start3A_58 = arith.constant 0 : i32
        %dma_start3A_59 = arith.constant 0 : i32
        %dma_start3A_60 = tpu.memref_slice %arg24[%dma_start3A_58, %dma_start3A_59] : memref<10240x16xf32, #tpu.memory_space<vmem_shared>> -> memref<10240x16xf32, #tpu.memory_space<vmem_shared>>
        tpu.enqueue_indirect_dma source(%arg9 : memref<128x16xf32, #tpu.memory_space<vmem>>) target(%dma_start3A_60 : memref<10240x16xf32, #tpu.memory_space<vmem_shared>>) offsets(%dma_start3A_57 : memref<128xi32, #tpu.memory_space<vmem>>) semaphore(%run_scoped3A : memref<!tpu.dma_semaphore, #tpu.memory_space<semaphore_mem>>) {add = true}
        %dma_wait3A = arith.constant 0 : i32
        %dma_wait3A_61 = tpu.memref_slice %arg8[%scan3A_55, %dma_wait3A] : memref<81x128xi32, #tpu.memory_space<vmem>> -> memref<1x128xi32, #tpu.memory_space<vmem>>
        %dma_wait3A_62 = tpu.memref_squeeze %dma_wait3A_61 : memref<1x128xi32, #tpu.memory_space<vmem>> -> memref<128xi32, #tpu.memory_space<vmem>>
        %dma_wait3A_63 = arith.constant 0 : i32
        %dma_wait3A_64 = arith.constant 0 : i32
        %dma_wait3A_65 = tpu.memref_slice %arg24[%dma_wait3A_63, %dma_wait3A_64] : memref<10240x16xf32, #tpu.memory_space<vmem_shared>> -> memref<10240x16xf32, #tpu.memory_space<vmem_shared>>
        tpu.wait_indirect_dma semaphore(%run_scoped3A : memref<!tpu.dma_semaphore, #tpu.memory_space<semaphore_mem>>) src(%arg9 : memref<128x16xf32, #tpu.memory_space<vmem>>) dst(%dma_wait3A_65 : memref<10240x16xf32, #tpu.memory_space<vmem_shared>>)
        tpu.yield
      }) : () -> ()
    }
    %scan3A_29 = arith.constant 80 : i32
    %barrier3A_30 = arith.constant 0 : index
    tpu.barrier barrier_id(%barrier3A_30)
    "tpu.region"() ({
      %run_scoped3A = tpu.sem_alloc : memref<!tpu.dma_semaphore, #tpu.memory_space<semaphore_mem>>
      %dma_start3A = arith.constant 0 : i32
      %dma_start3A_55 = tpu.memref_slice %arg24[%multiple_of3A, %dma_start3A] : memref<10240x16xf32, #tpu.memory_space<vmem_shared>> -> memref<320x16xf32, #tpu.memory_space<vmem_shared>>
      %dma_start3A_56 = arith.constant 0 : i32
      %dma_start3A_57 = tpu.memref_slice %arg24[%multiple_of3A, %dma_start3A_56] : memref<10240x16xf32, #tpu.memory_space<vmem_shared>> -> memref<320x16xf32, #tpu.memory_space<vmem_shared>>
      tpu.enqueue_dma source(%dma_start3A_57 : memref<320x16xf32, #tpu.memory_space<vmem_shared>>) target(%arg20 : memref<320x16xf32, #tpu.memory_space<vmem>>) target_semaphore(%run_scoped3A : memref<!tpu.dma_semaphore, #tpu.memory_space<semaphore_mem>>)
      %dma_wait3A = arith.constant 0 : i32
      %dma_wait3A_58 = tpu.memref_slice %arg24[%multiple_of3A, %dma_wait3A] : memref<10240x16xf32, #tpu.memory_space<vmem_shared>> -> memref<320x16xf32, #tpu.memory_space<vmem_shared>>
      %dma_wait3A_59 = arith.constant 0 : i32
      %dma_wait3A_60 = tpu.memref_slice %arg24[%multiple_of3A, %dma_wait3A_59] : memref<10240x16xf32, #tpu.memory_space<vmem_shared>> -> memref<320x16xf32, #tpu.memory_space<vmem_shared>>
      tpu.wait_dma2 semaphore(%run_scoped3A : memref<!tpu.dma_semaphore, #tpu.memory_space<semaphore_mem>>) src(%dma_wait3A_60 : memref<320x16xf32, #tpu.memory_space<vmem_shared>>) dst(%arg20 : memref<320x16xf32, #tpu.memory_space<vmem>>)
      tpu.yield
    }) : () -> ()
    "tpu.region"() ({
      %run_scoped3A = tpu.sem_alloc : memref<!tpu.dma_semaphore, #tpu.memory_space<semaphore_mem>>
      %dma_start3A = arith.constant 0 : i32
      %dma_start3A_55 = tpu.memref_slice %arg6[%arg0, %multiple_of3A_9, %dma_start3A] : memref<2x10240x16xf32, #tpu.memory_space<hbm>> -> memref<1x320x16xf32, #tpu.memory_space<hbm>>
      %dma_start3A_56 = tpu.memref_squeeze %dma_start3A_55 : memref<1x320x16xf32, #tpu.memory_space<hbm>> -> memref<320x16xf32, #tpu.memory_space<hbm>>
      %dma_start3A_57 = arith.constant 0 : i32
      %dma_start3A_58 = tpu.memref_slice %arg24[%multiple_of3A_9, %dma_start3A_57] : memref<10240x16xf32, #tpu.memory_space<vmem_shared>> -> memref<320x16xf32, #tpu.memory_space<vmem_shared>>
      tpu.enqueue_dma source(%dma_start3A_58 : memref<320x16xf32, #tpu.memory_space<vmem_shared>>) target(%dma_start3A_56 : memref<320x16xf32, #tpu.memory_space<hbm>>) target_semaphore(%run_scoped3A : memref<!tpu.dma_semaphore, #tpu.memory_space<semaphore_mem>>)
      %dma_wait3A = arith.constant 0 : i32
      %dma_wait3A_59 = tpu.memref_slice %arg6[%arg0, %multiple_of3A_9, %dma_wait3A] : memref<2x10240x16xf32, #tpu.memory_space<hbm>> -> memref<1x320x16xf32, #tpu.memory_space<hbm>>
      %dma_wait3A_60 = tpu.memref_squeeze %dma_wait3A_59 : memref<1x320x16xf32, #tpu.memory_space<hbm>> -> memref<320x16xf32, #tpu.memory_space<hbm>>
      %dma_wait3A_61 = arith.constant 0 : i32
      %dma_wait3A_62 = tpu.memref_slice %arg24[%multiple_of3A_9, %dma_wait3A_61] : memref<10240x16xf32, #tpu.memory_space<vmem_shared>> -> memref<320x16xf32, #tpu.memory_space<vmem_shared>>
      tpu.wait_dma2 semaphore(%run_scoped3A : memref<!tpu.dma_semaphore, #tpu.memory_space<semaphore_mem>>) src(%dma_wait3A_62 : memref<320x16xf32, #tpu.memory_space<vmem_shared>>) dst(%dma_wait3A_60 : memref<320x16xf32, #tpu.memory_space<hbm>>)
      tpu.yield
    }) : () -> ()
    "tpu.region"() ({
      %run_scoped3A = tpu.sem_alloc : memref<!tpu.dma_semaphore, #tpu.memory_space<semaphore_mem>>
      %dma_start3A = arith.constant 0 : i32
      %dma_start3A_55 = tpu.memref_slice %arg24[%multiple_of3A, %dma_start3A] : memref<10240x16xf32, #tpu.memory_space<vmem_shared>> -> memref<320x16xf32, #tpu.memory_space<vmem_shared>>
      %dma_start3A_56 = arith.constant 0 : i32
      %dma_start3A_57 = tpu.memref_slice %arg24[%multiple_of3A, %dma_start3A_56] : memref<10240x16xf32, #tpu.memory_space<vmem_shared>> -> memref<320x16xf32, #tpu.memory_space<vmem_shared>>
      tpu.enqueue_dma source(%arg22 : memref<320x16xf32, #tpu.memory_space<vmem>>) target(%dma_start3A_57 : memref<320x16xf32, #tpu.memory_space<vmem_shared>>) target_semaphore(%run_scoped3A : memref<!tpu.dma_semaphore, #tpu.memory_space<semaphore_mem>>)
      %dma_wait3A = arith.constant 0 : i32
      %dma_wait3A_58 = tpu.memref_slice %arg24[%multiple_of3A, %dma_wait3A] : memref<10240x16xf32, #tpu.memory_space<vmem_shared>> -> memref<320x16xf32, #tpu.memory_space<vmem_shared>>
      %dma_wait3A_59 = arith.constant 0 : i32
      %dma_wait3A_60 = tpu.memref_slice %arg24[%multiple_of3A, %dma_wait3A_59] : memref<10240x16xf32, #tpu.memory_space<vmem_shared>> -> memref<320x16xf32, #tpu.memory_space<vmem_shared>>
      tpu.wait_dma2 semaphore(%run_scoped3A : memref<!tpu.dma_semaphore, #tpu.memory_space<semaphore_mem>>) src(%arg22 : memref<320x16xf32, #tpu.memory_space<vmem>>) dst(%dma_wait3A_60 : memref<320x16xf32, #tpu.memory_space<vmem_shared>>)
      tpu.yield
    }) : () -> ()
    "tpu.region"() ({
      %run_scoped3A = tpu.sem_alloc : memref<!tpu.dma_semaphore, #tpu.memory_space<semaphore_mem>>
      %dma_start3A = arith.constant 0 : i32
      %dma_start3A_55 = tpu.memref_slice %arg24[%multiple_of3A_9, %dma_start3A] : memref<10240x16xf32, #tpu.memory_space<vmem_shared>> -> memref<320x16xf32, #tpu.memory_space<vmem_shared>>
      %dma_start3A_56 = arith.constant 0 : i32
      %dma_start3A_57 = tpu.memref_slice %arg24[%multiple_of3A_9, %dma_start3A_56] : memref<10240x16xf32, #tpu.memory_space<vmem_shared>> -> memref<320x16xf32, #tpu.memory_space<vmem_shared>>
      tpu.enqueue_dma source(%arg22 : memref<320x16xf32, #tpu.memory_space<vmem>>) target(%dma_start3A_57 : memref<320x16xf32, #tpu.memory_space<vmem_shared>>) target_semaphore(%run_scoped3A : memref<!tpu.dma_semaphore, #tpu.memory_space<semaphore_mem>>)
      %dma_wait3A = arith.constant 0 : i32
      %dma_wait3A_58 = tpu.memref_slice %arg24[%multiple_of3A_9, %dma_wait3A] : memref<10240x16xf32, #tpu.memory_space<vmem_shared>> -> memref<320x16xf32, #tpu.memory_space<vmem_shared>>
      %dma_wait3A_59 = arith.constant 0 : i32
      %dma_wait3A_60 = tpu.memref_slice %arg24[%multiple_of3A_9, %dma_wait3A_59] : memref<10240x16xf32, #tpu.memory_space<vmem_shared>> -> memref<320x16xf32, #tpu.memory_space<vmem_shared>>
      tpu.wait_dma2 semaphore(%run_scoped3A : memref<!tpu.dma_semaphore, #tpu.memory_space<semaphore_mem>>) src(%arg22 : memref<320x16xf32, #tpu.memory_space<vmem>>) dst(%dma_wait3A_60 : memref<320x16xf32, #tpu.memory_space<vmem_shared>>)
      tpu.yield
    }) : () -> ()
    %sub3A_31 = arith.constant 1 : i32
    %sub3A_32 = arith.subi %sub3A_31, %arg0 : i32
    %semaphore_signal3A = arith.constant 1 : i32
    tpu.sem_signal %arg41, %semaphore_signal3A core_id %sub3A_32 : memref<!tpu.semaphore, #tpu.memory_space<semaphore_mem>>
    %semaphore_wait3A = arith.constant 1 : i32
    %semaphore_wait3A_33 = arith.constant true
    tpu.sem_wait %arg41, %semaphore_wait3A : memref<!tpu.semaphore, #tpu.memory_space<semaphore_mem>>
    %sub3A_34 = arith.constant 1 : i32
    %sub3A_35 = arith.subi %sub3A_34, %arg0 : i32
    "tpu.region"() ({
      %run_scoped3A = tpu.sem_alloc : memref<!tpu.dma_semaphore, #tpu.memory_space<semaphore_mem>>
      %dma_start3A = arith.constant 0 : i32
      %dma_start3A_55 = tpu.memref_slice %arg6[%sub3A_35, %multiple_of3A, %dma_start3A] : memref<2x10240x16xf32, #tpu.memory_space<hbm>> -> memref<1x320x16xf32, #tpu.memory_space<hbm>>
      %dma_start3A_56 = tpu.memref_squeeze %dma_start3A_55 : memref<1x320x16xf32, #tpu.memory_space<hbm>> -> memref<320x16xf32, #tpu.memory_space<hbm>>
      %dma_start3A_57 = arith.constant 0 : i32
      %dma_start3A_58 = tpu.memref_slice %arg6[%sub3A_35, %multiple_of3A, %dma_start3A_57] : memref<2x10240x16xf32, #tpu.memory_space<hbm>> -> memref<1x320x16xf32, #tpu.memory_space<hbm>>
      %dma_start3A_59 = tpu.memref_squeeze %dma_start3A_58 : memref<1x320x16xf32, #tpu.memory_space<hbm>> -> memref<320x16xf32, #tpu.memory_space<hbm>>
      tpu.enqueue_dma source(%dma_start3A_59 : memref<320x16xf32, #tpu.memory_space<hbm>>) target(%arg21 : memref<320x16xf32, #tpu.memory_space<vmem>>) target_semaphore(%run_scoped3A : memref<!tpu.dma_semaphore, #tpu.memory_space<semaphore_mem>>)
      %dma_wait3A = arith.constant 0 : i32
      %dma_wait3A_60 = tpu.memref_slice %arg6[%sub3A_35, %multiple_of3A, %dma_wait3A] : memref<2x10240x16xf32, #tpu.memory_space<hbm>> -> memref<1x320x16xf32, #tpu.memory_space<hbm>>
      %dma_wait3A_61 = tpu.memref_squeeze %dma_wait3A_60 : memref<1x320x16xf32, #tpu.memory_space<hbm>> -> memref<320x16xf32, #tpu.memory_space<hbm>>
      %dma_wait3A_62 = arith.constant 0 : i32
      %dma_wait3A_63 = tpu.memref_slice %arg6[%sub3A_35, %multiple_of3A, %dma_wait3A_62] : memref<2x10240x16xf32, #tpu.memory_space<hbm>> -> memref<1x320x16xf32, #tpu.memory_space<hbm>>
      %dma_wait3A_64 = tpu.memref_squeeze %dma_wait3A_63 : memref<1x320x16xf32, #tpu.memory_space<hbm>> -> memref<320x16xf32, #tpu.memory_space<hbm>>
      tpu.wait_dma2 semaphore(%run_scoped3A : memref<!tpu.dma_semaphore, #tpu.memory_space<semaphore_mem>>) src(%dma_wait3A_64 : memref<320x16xf32, #tpu.memory_space<hbm>>) dst(%arg21 : memref<320x16xf32, #tpu.memory_space<vmem>>)
      tpu.yield
    }) : () -> ()
    %scan3A_36 = arith.constant 0 : i32
    %scan3A_37 = arith.constant 0 : i32
    %scan3A_38 = arith.constant 320 : i32
    %scan3A_39 = arith.addi %scan3A_37, %scan3A_38 : i32
    %scan3A_40 = arith.constant 1 : i32
    scf.for %scan3A_55 = %scan3A_37 to %scan3A_39 step %scan3A_40  : i32 {
      %get3A = arith.index_cast %scan3A_55 : i32 to index
      %get3A_56 = arith.constant 0 : index
      %get3A_57 = tpu.vector_load %arg20[%get3A, %get3A_56] {strides = array<i32>} : memref<320x16xf32, #tpu.memory_space<vmem>>, vector<1x16xf32>,
      %get3A_58 = vector.shape_cast %get3A_57 : vector<1x16xf32> to vector<16xf32>
      %get3A_59 = arith.index_cast %scan3A_55 : i32 to index
      %get3A_60 = arith.constant 0 : index
      %get3A_61 = tpu.vector_load %arg21[%get3A_59, %get3A_60] {strides = array<i32>} : memref<320x16xf32, #tpu.memory_space<vmem>>, vector<1x16xf32>,
      %get3A_62 = vector.shape_cast %get3A_61 : vector<1x16xf32> to vector<16xf32>
      %add3A_63 = arith.addf %get3A_58, %get3A_62 : vector<16xf32>
      %add3A_64 = arith.constant 1.000000e+00 : f32
      %add3A_65 = vector.broadcast %add3A_64 : f32 to vector<16xf32>
      %add3A_66 = arith.addf %add3A_63, %add3A_65 : vector<16xf32>
      %div3A = arith.constant 1.000000e+00 : f32
      %div3A_67 = vector.broadcast %div3A : f32 to vector<16xf32>
      %div3A_68 = arith.divf %div3A_67, %add3A_66 : vector<16xf32>
      %broadcast_in_dim3A_69 = arith.constant 4.000000e-02 : f32
      %broadcast_in_dim3A_70 = vector.broadcast %broadcast_in_dim3A_69 : f32 to vector<16xf32>
      %div3A_71 = arith.divf %div3A_68, %broadcast_in_dim3A_70 : vector<16xf32>
      %add3A_72 = arith.addf %broadcast_in_dim3A_70, %div3A_71 : vector<16xf32>
      %mul3A_73 = arith.constant 5.000000e-01 : f32
      %mul3A_74 = vector.broadcast %mul3A_73 : f32 to vector<16xf32>
      %mul3A_75 = arith.mulf %mul3A_74, %add3A_72 : vector<16xf32>
      %div3A_76 = arith.divf %div3A_68, %mul3A_75 : vector<16xf32>
      %add3A_77 = arith.addf %mul3A_75, %div3A_76 : vector<16xf32>
      %mul3A_78 = arith.constant 5.000000e-01 : f32
      %mul3A_79 = vector.broadcast %mul3A_78 : f32 to vector<16xf32>
      %mul3A_80 = arith.mulf %mul3A_79, %add3A_77 : vector<16xf32>
      %div3A_81 = arith.divf %div3A_68, %mul3A_80 : vector<16xf32>
      %add3A_82 = arith.addf %mul3A_80, %div3A_81 : vector<16xf32>
      %mul3A_83 = arith.constant 5.000000e-01 : f32
      %mul3A_84 = vector.broadcast %mul3A_83 : f32 to vector<16xf32>
      %mul3A_85 = arith.mulf %mul3A_84, %add3A_82 : vector<16xf32>
      %div3A_86 = arith.divf %div3A_68, %mul3A_85 : vector<16xf32>
      %add3A_87 = arith.addf %mul3A_85, %div3A_86 : vector<16xf32>
      %mul3A_88 = arith.constant 5.000000e-01 : f32
      %mul3A_89 = vector.broadcast %mul3A_88 : f32 to vector<16xf32>
      %mul3A_90 = arith.mulf %mul3A_89, %add3A_87 : vector<16xf32>
      %div3A_91 = arith.divf %div3A_68, %mul3A_90 : vector<16xf32>
      %add3A_92 = arith.addf %mul3A_90, %div3A_91 : vector<16xf32>
      %mul3A_93 = arith.constant 5.000000e-01 : f32
      %mul3A_94 = vector.broadcast %mul3A_93 : f32 to vector<16xf32>
      %mul3A_95 = arith.mulf %mul3A_94, %add3A_92 : vector<16xf32>
      %div3A_96 = arith.divf %div3A_68, %mul3A_95 : vector<16xf32>
      %add3A_97 = arith.addf %mul3A_95, %div3A_96 : vector<16xf32>
      %mul3A_98 = arith.constant 5.000000e-01 : f32
      %mul3A_99 = vector.broadcast %mul3A_98 : f32 to vector<16xf32>
      %mul3A_100 = arith.mulf %mul3A_99, %add3A_97 : vector<16xf32>
      %div3A_101 = arith.divf %div3A_68, %mul3A_100 : vector<16xf32>
      %add3A_102 = arith.addf %mul3A_100, %div3A_101 : vector<16xf32>
      %mul3A_103 = arith.constant 5.000000e-01 : f32
      %mul3A_104 = vector.broadcast %mul3A_103 : f32 to vector<16xf32>
      %mul3A_105 = arith.mulf %mul3A_104, %add3A_102 : vector<16xf32>
      %div3A_106 = arith.divf %div3A_68, %mul3A_105 : vector<16xf32>
      %add3A_107 = arith.addf %mul3A_105, %div3A_106 : vector<16xf32>
      %mul3A_108 = arith.constant 5.000000e-01 : f32
      %mul3A_109 = vector.broadcast %mul3A_108 : f32 to vector<16xf32>
      %mul3A_110 = arith.mulf %mul3A_109, %add3A_107 : vector<16xf32>
      %div3A_111 = arith.divf %div3A_68, %mul3A_110 : vector<16xf32>
      %add3A_112 = arith.addf %mul3A_110, %div3A_111 : vector<16xf32>
      %mul3A_113 = arith.constant 5.000000e-01 : f32
      %mul3A_114 = vector.broadcast %mul3A_113 : f32 to vector<16xf32>
      %mul3A_115 = arith.mulf %mul3A_114, %add3A_112 : vector<16xf32>
      %div3A_116 = arith.divf %div3A_68, %mul3A_115 : vector<16xf32>
      %add3A_117 = arith.addf %mul3A_115, %div3A_116 : vector<16xf32>
      %mul3A_118 = arith.constant 5.000000e-01 : f32
      %mul3A_119 = vector.broadcast %mul3A_118 : f32 to vector<16xf32>
      %mul3A_120 = arith.mulf %mul3A_119, %add3A_117 : vector<16xf32>
      %div3A_121 = arith.divf %div3A_68, %mul3A_120 : vector<16xf32>
      %add3A_122 = arith.addf %mul3A_120, %div3A_121 : vector<16xf32>
      %mul3A_123 = arith.constant 5.000000e-01 : f32
      %mul3A_124 = vector.broadcast %mul3A_123 : f32 to vector<16xf32>
      %mul3A_125 = arith.mulf %mul3A_124, %add3A_122 : vector<16xf32>
      %div3A_126 = arith.divf %div3A_68, %mul3A_125 : vector<16xf32>
      %add3A_127 = arith.addf %mul3A_125, %div3A_126 : vector<16xf32>
      %mul3A_128 = arith.constant 5.000000e-01 : f32
      %mul3A_129 = vector.broadcast %mul3A_128 : f32 to vector<16xf32>
      %mul3A_130 = arith.mulf %mul3A_129, %add3A_127 : vector<16xf32>
      %swap3A = arith.index_cast %scan3A_55 : i32 to index
      %swap3A_131 = arith.constant 0 : index
      %swap3A_132 = tpu.vector_load %arg18[%swap3A, %swap3A_131] {strides = array<i32>} : memref<320x16xf32, #tpu.memory_space<vmem>>, vector<1x16xf32>,
      %swap3A_133 = vector.shape_cast %swap3A_132 : vector<1x16xf32> to vector<16xf32>
      %swap3A_134 = vector.shape_cast %mul3A_130 : vector<16xf32> to vector<1x16xf32>
      tpu.vector_store %arg18[%swap3A, %swap3A_131], %swap3A_134 {strides = array<i32>} : memref<320x16xf32, #tpu.memory_space<vmem>>, vector<1x16xf32>,
      %get3A_135 = arith.index_cast %scan3A_55 : i32 to index
      %get3A_136 = arith.constant 0 : index
      %get3A_137 = tpu.vector_load %arg17[%get3A_135, %get3A_136] {strides = array<i32>} : memref<320x16xf32, #tpu.memory_space<vmem>>, vector<1x16xf32>,
      %get3A_138 = vector.shape_cast %get3A_137 : vector<1x16xf32> to vector<16xf32>
      %mul3A_139 = arith.mulf %get3A_138, %mul3A_130 : vector<16xf32>
      %swap3A_140 = arith.index_cast %scan3A_55 : i32 to index
      %swap3A_141 = arith.constant 0 : index
      %swap3A_142 = tpu.vector_load %arg19[%swap3A_140, %swap3A_141] {strides = array<i32>} : memref<320x16xf32, #tpu.memory_space<vmem>>, vector<1x16xf32>,
      %swap3A_143 = vector.shape_cast %swap3A_142 : vector<1x16xf32> to vector<16xf32>
      %swap3A_144 = vector.shape_cast %mul3A_139 : vector<16xf32> to vector<1x16xf32>
      tpu.vector_store %arg19[%swap3A_140, %swap3A_141], %swap3A_144 {strides = array<i32>} : memref<320x16xf32, #tpu.memory_space<vmem>>, vector<1x16xf32>,
    }
    %scan3A_41 = arith.constant 320 : i32
    "tpu.region"() ({
      %run_scoped3A = tpu.sem_alloc : memref<!tpu.dma_semaphore, #tpu.memory_space<semaphore_mem>>
      %dma_start3A = arith.constant 0 : i32
      %dma_start3A_55 = tpu.memref_slice %arg5[%multiple_of3A, %dma_start3A] : memref<10240x16xf32, #tpu.memory_space<hbm>> -> memref<320x16xf32, #tpu.memory_space<hbm>>
      %dma_start3A_56 = arith.constant 0 : i32
      %dma_start3A_57 = tpu.memref_slice %arg5[%multiple_of3A, %dma_start3A_56] : memref<10240x16xf32, #tpu.memory_space<hbm>> -> memref<320x16xf32, #tpu.memory_space<hbm>>
      tpu.enqueue_dma source(%arg19 : memref<320x16xf32, #tpu.memory_space<vmem>>) target(%dma_start3A_57 : memref<320x16xf32, #tpu.memory_space<hbm>>) target_semaphore(%run_scoped3A : memref<!tpu.dma_semaphore, #tpu.memory_space<semaphore_mem>>)
      %dma_wait3A = arith.constant 0 : i32
      %dma_wait3A_58 = tpu.memref_slice %arg5[%multiple_of3A, %dma_wait3A] : memref<10240x16xf32, #tpu.memory_space<hbm>> -> memref<320x16xf32, #tpu.memory_space<hbm>>
      %dma_wait3A_59 = arith.constant 0 : i32
      %dma_wait3A_60 = tpu.memref_slice %arg5[%multiple_of3A, %dma_wait3A_59] : memref<10240x16xf32, #tpu.memory_space<hbm>> -> memref<320x16xf32, #tpu.memory_space<hbm>>
      tpu.wait_dma2 semaphore(%run_scoped3A : memref<!tpu.dma_semaphore, #tpu.memory_space<semaphore_mem>>) src(%arg19 : memref<320x16xf32, #tpu.memory_space<vmem>>) dst(%dma_wait3A_60 : memref<320x16xf32, #tpu.memory_space<hbm>>)
      tpu.yield
    }) : () -> ()
    "tpu.region"() ({
      %run_scoped3A = tpu.sem_alloc : memref<!tpu.dma_semaphore, #tpu.memory_space<semaphore_mem>>
      %dma_start3A = arith.constant 0 : i32
      %dma_start3A_55 = tpu.memref_slice %arg23[%multiple_of3A, %dma_start3A] : memref<10240x16xf32, #tpu.memory_space<vmem_shared>> -> memref<320x16xf32, #tpu.memory_space<vmem_shared>>
      %dma_start3A_56 = arith.constant 0 : i32
      %dma_start3A_57 = tpu.memref_slice %arg23[%multiple_of3A, %dma_start3A_56] : memref<10240x16xf32, #tpu.memory_space<vmem_shared>> -> memref<320x16xf32, #tpu.memory_space<vmem_shared>>
      tpu.enqueue_dma source(%arg19 : memref<320x16xf32, #tpu.memory_space<vmem>>) target(%dma_start3A_57 : memref<320x16xf32, #tpu.memory_space<vmem_shared>>) target_semaphore(%run_scoped3A : memref<!tpu.dma_semaphore, #tpu.memory_space<semaphore_mem>>)
      %dma_wait3A = arith.constant 0 : i32
      %dma_wait3A_58 = tpu.memref_slice %arg23[%multiple_of3A, %dma_wait3A] : memref<10240x16xf32, #tpu.memory_space<vmem_shared>> -> memref<320x16xf32, #tpu.memory_space<vmem_shared>>
      %dma_wait3A_59 = arith.constant 0 : i32
      %dma_wait3A_60 = tpu.memref_slice %arg23[%multiple_of3A, %dma_wait3A_59] : memref<10240x16xf32, #tpu.memory_space<vmem_shared>> -> memref<320x16xf32, #tpu.memory_space<vmem_shared>>
      tpu.wait_dma2 semaphore(%run_scoped3A : memref<!tpu.dma_semaphore, #tpu.memory_space<semaphore_mem>>) src(%arg19 : memref<320x16xf32, #tpu.memory_space<vmem>>) dst(%dma_wait3A_60 : memref<320x16xf32, #tpu.memory_space<vmem_shared>>)
      tpu.yield
    }) : () -> ()
    %sub3A_42 = arith.constant 1 : i32
    %sub3A_43 = arith.subi %sub3A_42, %arg0 : i32
    %semaphore_signal3A_44 = arith.constant 1 : i32
    tpu.sem_signal %arg42, %semaphore_signal3A_44 core_id %sub3A_43 : memref<!tpu.semaphore, #tpu.memory_space<semaphore_mem>>
    %semaphore_wait3A_45 = arith.constant 1 : i32
    %semaphore_wait3A_46 = arith.constant true
    tpu.sem_wait %arg42, %semaphore_wait3A_45 : memref<!tpu.semaphore, #tpu.memory_space<semaphore_mem>>
    "tpu.region"() ({
      %run_scoped3A = tpu.sem_alloc : memref<!tpu.dma_semaphore, #tpu.memory_space<semaphore_mem>>
      %dma_start3A = arith.constant 0 : i32
      %dma_start3A_55 = tpu.memref_slice %arg23[%multiple_of3A_9, %dma_start3A] : memref<10240x16xf32, #tpu.memory_space<vmem_shared>> -> memref<320x16xf32, #tpu.memory_space<vmem_shared>>
      %dma_start3A_56 = arith.constant 0 : i32
      %dma_start3A_57 = tpu.memref_slice %arg5[%multiple_of3A_9, %dma_start3A_56] : memref<10240x16xf32, #tpu.memory_space<hbm>> -> memref<320x16xf32, #tpu.memory_space<hbm>>
      tpu.enqueue_dma source(%dma_start3A_57 : memref<320x16xf32, #tpu.memory_space<hbm>>) target(%dma_start3A_55 : memref<320x16xf32, #tpu.memory_space<vmem_shared>>) target_semaphore(%run_scoped3A : memref<!tpu.dma_semaphore, #tpu.memory_space<semaphore_mem>>)
      %dma_wait3A = arith.constant 0 : i32
      %dma_wait3A_58 = tpu.memref_slice %arg23[%multiple_of3A_9, %dma_wait3A] : memref<10240x16xf32, #tpu.memory_space<vmem_shared>> -> memref<320x16xf32, #tpu.memory_space<vmem_shared>>
      %dma_wait3A_59 = arith.constant 0 : i32
      %dma_wait3A_60 = tpu.memref_slice %arg5[%multiple_of3A_9, %dma_wait3A_59] : memref<10240x16xf32, #tpu.memory_space<hbm>> -> memref<320x16xf32, #tpu.memory_space<hbm>>
      tpu.wait_dma2 semaphore(%run_scoped3A : memref<!tpu.dma_semaphore, #tpu.memory_space<semaphore_mem>>) src(%dma_wait3A_60 : memref<320x16xf32, #tpu.memory_space<hbm>>) dst(%dma_wait3A_58 : memref<320x16xf32, #tpu.memory_space<vmem_shared>>)
      tpu.yield
    }) : () -> ()
    %barrier3A_47 = arith.constant 0 : index
    tpu.barrier barrier_id(%barrier3A_47)
    %scan3A_48 = arith.constant 0 : i32
    %scan3A_49 = arith.constant 80 : i32
    %scan3A_50 = arith.constant 0 : i32
    %scan3A_51 = arith.constant 10 : i32
    %scan3A_52 = arith.addi %scan3A_50, %scan3A_51 : i32
    %scan3A_53 = arith.constant 1 : i32
    scf.for %scan3A_55 = %scan3A_50 to %scan3A_52 step %scan3A_53  : i32 {
      %dma_start3A = arith.constant 0 : i32
      %dma_start3A_56 = arith.constant 0 : i32
      %dma_start3A_57 = tpu.memref_slice %arg22[%dma_start3A, %dma_start3A_56] : memref<320x16xf32, #tpu.memory_space<vmem>> -> memref<128x16xf32, #tpu.memory_space<vmem>>
      %dma_start3A_58 = arith.constant 0 : i32
      %dma_start3A_59 = tpu.memref_slice %arg7[%scan3A_49, %dma_start3A_58] : memref<81x128xi32, #tpu.memory_space<vmem>> -> memref<1x128xi32, #tpu.memory_space<vmem>>
      %dma_start3A_60 = tpu.memref_squeeze %dma_start3A_59 : memref<1x128xi32, #tpu.memory_space<vmem>> -> memref<128xi32, #tpu.memory_space<vmem>>
      %dma_start3A_61 = arith.constant 0 : i32
      %dma_start3A_62 = arith.constant 0 : i32
      %dma_start3A_63 = tpu.memref_slice %arg24[%dma_start3A_61, %dma_start3A_62] : memref<10240x16xf32, #tpu.memory_space<vmem_shared>> -> memref<10240x16xf32, #tpu.memory_space<vmem_shared>>
      tpu.enqueue_indirect_dma source(%dma_start3A_57 : memref<128x16xf32, #tpu.memory_space<vmem>>) target(%dma_start3A_63 : memref<10240x16xf32, #tpu.memory_space<vmem_shared>>) offsets(%dma_start3A_60 : memref<128xi32, #tpu.memory_space<vmem>>) semaphore(%arg34 : memref<!tpu.dma_semaphore, #tpu.memory_space<semaphore_mem>>) {add = true}
      %dma_start3A_64 = arith.constant 0 : i32
      %dma_start3A_65 = arith.constant 0 : i32
      %dma_start3A_66 = tpu.memref_slice %arg22[%dma_start3A_64, %dma_start3A_65] : memref<320x16xf32, #tpu.memory_space<vmem>> -> memref<128x16xf32, #tpu.memory_space<vmem>>
      %dma_start3A_67 = arith.constant 0 : i32
      %dma_start3A_68 = tpu.memref_slice %arg7[%scan3A_49, %dma_start3A_67] : memref<81x128xi32, #tpu.memory_space<vmem>> -> memref<1x128xi32, #tpu.memory_space<vmem>>
      %dma_start3A_69 = tpu.memref_squeeze %dma_start3A_68 : memref<1x128xi32, #tpu.memory_space<vmem>> -> memref<128xi32, #tpu.memory_space<vmem>>
      %dma_start3A_70 = arith.constant 0 : i32
      %dma_start3A_71 = arith.constant 0 : i32
      %dma_start3A_72 = tpu.memref_slice %arg24[%dma_start3A_70, %dma_start3A_71] : memref<10240x16xf32, #tpu.memory_space<vmem_shared>> -> memref<10240x16xf32, #tpu.memory_space<vmem_shared>>
      tpu.enqueue_indirect_dma source(%dma_start3A_66 : memref<128x16xf32, #tpu.memory_space<vmem>>) target(%dma_start3A_72 : memref<10240x16xf32, #tpu.memory_space<vmem_shared>>) offsets(%dma_start3A_69 : memref<128xi32, #tpu.memory_space<vmem>>) semaphore(%arg35 : memref<!tpu.dma_semaphore, #tpu.memory_space<semaphore_mem>>) {add = true}
      %dma_start3A_73 = arith.constant 0 : i32
      %dma_start3A_74 = arith.constant 0 : i32
      %dma_start3A_75 = tpu.memref_slice %arg22[%dma_start3A_73, %dma_start3A_74] : memref<320x16xf32, #tpu.memory_space<vmem>> -> memref<128x16xf32, #tpu.memory_space<vmem>>
      %dma_start3A_76 = arith.constant 0 : i32
      %dma_start3A_77 = tpu.memref_slice %arg7[%scan3A_49, %dma_start3A_76] : memref<81x128xi32, #tpu.memory_space<vmem>> -> memref<1x128xi32, #tpu.memory_space<vmem>>
      %dma_start3A_78 = tpu.memref_squeeze %dma_start3A_77 : memref<1x128xi32, #tpu.memory_space<vmem>> -> memref<128xi32, #tpu.memory_space<vmem>>
      %dma_start3A_79 = arith.constant 0 : i32
      %dma_start3A_80 = arith.constant 0 : i32
      %dma_start3A_81 = tpu.memref_slice %arg24[%dma_start3A_79, %dma_start3A_80] : memref<10240x16xf32, #tpu.memory_space<vmem_shared>> -> memref<10240x16xf32, #tpu.memory_space<vmem_shared>>
      tpu.enqueue_indirect_dma source(%dma_start3A_75 : memref<128x16xf32, #tpu.memory_space<vmem>>) target(%dma_start3A_81 : memref<10240x16xf32, #tpu.memory_space<vmem_shared>>) offsets(%dma_start3A_78 : memref<128xi32, #tpu.memory_space<vmem>>) semaphore(%arg36 : memref<!tpu.dma_semaphore, #tpu.memory_space<semaphore_mem>>) {add = true}
      %dma_start3A_82 = arith.constant 0 : i32
      %dma_start3A_83 = arith.constant 0 : i32
      %dma_start3A_84 = tpu.memref_slice %arg22[%dma_start3A_82, %dma_start3A_83] : memref<320x16xf32, #tpu.memory_space<vmem>> -> memref<128x16xf32, #tpu.memory_space<vmem>>
      %dma_start3A_85 = arith.constant 0 : i32
      %dma_start3A_86 = tpu.memref_slice %arg7[%scan3A_49, %dma_start3A_85] : memref<81x128xi32, #tpu.memory_space<vmem>> -> memref<1x128xi32, #tpu.memory_space<vmem>>
      %dma_start3A_87 = tpu.memref_squeeze %dma_start3A_86 : memref<1x128xi32, #tpu.memory_space<vmem>> -> memref<128xi32, #tpu.memory_space<vmem>>
      %dma_start3A_88 = arith.constant 0 : i32
      %dma_start3A_89 = arith.constant 0 : i32
      %dma_start3A_90 = tpu.memref_slice %arg24[%dma_start3A_88, %dma_start3A_89] : memref<10240x16xf32, #tpu.memory_space<vmem_shared>> -> memref<10240x16xf32, #tpu.memory_space<vmem_shared>>
      tpu.enqueue_indirect_dma source(%dma_start3A_84 : memref<128x16xf32, #tpu.memory_space<vmem>>) target(%dma_start3A_90 : memref<10240x16xf32, #tpu.memory_space<vmem_shared>>) offsets(%dma_start3A_87 : memref<128xi32, #tpu.memory_space<vmem>>) semaphore(%arg37 : memref<!tpu.dma_semaphore, #tpu.memory_space<semaphore_mem>>) {add = true}
      %dma_start3A_91 = arith.constant 0 : i32
      %dma_start3A_92 = arith.constant 0 : i32
      %dma_start3A_93 = tpu.memref_slice %arg22[%dma_start3A_91, %dma_start3A_92] : memref<320x16xf32, #tpu.memory_space<vmem>> -> memref<128x16xf32, #tpu.memory_space<vmem>>
      %dma_start3A_94 = arith.constant 0 : i32
      %dma_start3A_95 = tpu.memref_slice %arg7[%scan3A_49, %dma_start3A_94] : memref<81x128xi32, #tpu.memory_space<vmem>> -> memref<1x128xi32, #tpu.memory_space<vmem>>
      %dma_start3A_96 = tpu.memref_squeeze %dma_start3A_95 : memref<1x128xi32, #tpu.memory_space<vmem>> -> memref<128xi32, #tpu.memory_space<vmem>>
      %dma_start3A_97 = arith.constant 0 : i32
      %dma_start3A_98 = arith.constant 0 : i32
      %dma_start3A_99 = tpu.memref_slice %arg24[%dma_start3A_97, %dma_start3A_98] : memref<10240x16xf32, #tpu.memory_space<vmem_shared>> -> memref<10240x16xf32, #tpu.memory_space<vmem_shared>>
      tpu.enqueue_indirect_dma source(%dma_start3A_93 : memref<128x16xf32, #tpu.memory_space<vmem>>) target(%dma_start3A_99 : memref<10240x16xf32, #tpu.memory_space<vmem_shared>>) offsets(%dma_start3A_96 : memref<128xi32, #tpu.memory_space<vmem>>) semaphore(%arg38 : memref<!tpu.dma_semaphore, #tpu.memory_space<semaphore_mem>>) {add = true}
      %dma_start3A_100 = arith.constant 0 : i32
      %dma_start3A_101 = arith.constant 0 : i32
      %dma_start3A_102 = tpu.memref_slice %arg22[%dma_start3A_100, %dma_start3A_101] : memref<320x16xf32, #tpu.memory_space<vmem>> -> memref<128x16xf32, #tpu.memory_space<vmem>>
      %dma_start3A_103 = arith.constant 0 : i32
      %dma_start3A_104 = tpu.memref_slice %arg7[%scan3A_49, %dma_start3A_103] : memref<81x128xi32, #tpu.memory_space<vmem>> -> memref<1x128xi32, #tpu.memory_space<vmem>>
      %dma_start3A_105 = tpu.memref_squeeze %dma_start3A_104 : memref<1x128xi32, #tpu.memory_space<vmem>> -> memref<128xi32, #tpu.memory_space<vmem>>
      %dma_start3A_106 = arith.constant 0 : i32
      %dma_start3A_107 = arith.constant 0 : i32
      %dma_start3A_108 = tpu.memref_slice %arg24[%dma_start3A_106, %dma_start3A_107] : memref<10240x16xf32, #tpu.memory_space<vmem_shared>> -> memref<10240x16xf32, #tpu.memory_space<vmem_shared>>
      tpu.enqueue_indirect_dma source(%dma_start3A_102 : memref<128x16xf32, #tpu.memory_space<vmem>>) target(%dma_start3A_108 : memref<10240x16xf32, #tpu.memory_space<vmem_shared>>) offsets(%dma_start3A_105 : memref<128xi32, #tpu.memory_space<vmem>>) semaphore(%arg39 : memref<!tpu.dma_semaphore, #tpu.memory_space<semaphore_mem>>) {add = true}
      %dma_start3A_109 = arith.constant 0 : i32
      %dma_start3A_110 = arith.constant 0 : i32
      %dma_start3A_111 = tpu.memref_slice %arg22[%dma_start3A_109, %dma_start3A_110] : memref<320x16xf32, #tpu.memory_space<vmem>> -> memref<128x16xf32, #tpu.memory_space<vmem>>
      %dma_start3A_112 = arith.constant 0 : i32
      %dma_start3A_113 = tpu.memref_slice %arg7[%scan3A_49, %dma_start3A_112] : memref<81x128xi32, #tpu.memory_space<vmem>> -> memref<1x128xi32, #tpu.memory_space<vmem>>
      %dma_start3A_114 = tpu.memref_squeeze %dma_start3A_113 : memref<1x128xi32, #tpu.memory_space<vmem>> -> memref<128xi32, #tpu.memory_space<vmem>>
      %dma_start3A_115 = arith.constant 0 : i32
      %dma_start3A_116 = arith.constant 0 : i32
      %dma_start3A_117 = tpu.memref_slice %arg24[%dma_start3A_115, %dma_start3A_116] : memref<10240x16xf32, #tpu.memory_space<vmem_shared>> -> memref<10240x16xf32, #tpu.memory_space<vmem_shared>>
      tpu.enqueue_indirect_dma source(%dma_start3A_111 : memref<128x16xf32, #tpu.memory_space<vmem>>) target(%dma_start3A_117 : memref<10240x16xf32, #tpu.memory_space<vmem_shared>>) offsets(%dma_start3A_114 : memref<128xi32, #tpu.memory_space<vmem>>) semaphore(%arg40 : memref<!tpu.dma_semaphore, #tpu.memory_space<semaphore_mem>>) {add = true}
      %dma_start3A_118 = arith.constant 0 : i32
      %dma_start3A_119 = arith.constant 0 : i32
      %dma_start3A_120 = tpu.memref_slice %arg7[%dma_start3A_118, %dma_start3A_119] : memref<81x128xi32, #tpu.memory_space<vmem>> -> memref<1x128xi32, #tpu.memory_space<vmem>>
      %dma_start3A_121 = tpu.memref_squeeze %dma_start3A_120 : memref<1x128xi32, #tpu.memory_space<vmem>> -> memref<128xi32, #tpu.memory_space<vmem>>
      %dma_start3A_122 = arith.constant 0 : i32
      %dma_start3A_123 = arith.constant 0 : i32
      %dma_start3A_124 = tpu.memref_slice %arg23[%dma_start3A_122, %dma_start3A_123] : memref<10240x16xf32, #tpu.memory_space<vmem_shared>> -> memref<10240x16xf32, #tpu.memory_space<vmem_shared>>
      tpu.enqueue_indirect_dma source(%dma_start3A_124 : memref<10240x16xf32, #tpu.memory_space<vmem_shared>>) target(%arg9 : memref<128x16xf32, #tpu.memory_space<vmem>>) offsets(%dma_start3A_121 : memref<128xi32, #tpu.memory_space<vmem>>) semaphore(%arg25 : memref<!tpu.dma_semaphore, #tpu.memory_space<semaphore_mem>>)
      %scan3A_125 = arith.constant 0 : i32
      %scan3A_126 = arith.constant 0 : i32
      %scan3A_127 = arith.constant 10 : i32
      %scan3A_128 = arith.addi %scan3A_126, %scan3A_127 : i32
      %scan3A_129 = arith.constant 1 : i32
      scf.for %scan3A_221 = %scan3A_126 to %scan3A_128 step %scan3A_129  : i32 {
        %mul3A_222 = arith.constant 8 : i32
        %mul3A_223 = arith.muli %mul3A_222, %scan3A_221 : i32
        %add3A_224 = arith.constant 0 : i32
        %add3A_225 = arith.addi %mul3A_223, %add3A_224 : i32
        %dma_wait3A_226 = arith.constant 0 : i32
        %dma_wait3A_227 = arith.constant 0 : i32
        %dma_wait3A_228 = tpu.memref_slice %arg7[%dma_wait3A_226, %dma_wait3A_227] : memref<81x128xi32, #tpu.memory_space<vmem>> -> memref<1x128xi32, #tpu.memory_space<vmem>>
        %dma_wait3A_229 = tpu.memref_squeeze %dma_wait3A_228 : memref<1x128xi32, #tpu.memory_space<vmem>> -> memref<128xi32, #tpu.memory_space<vmem>>
        %dma_wait3A_230 = arith.constant 0 : i32
        %dma_wait3A_231 = arith.constant 0 : i32
        %dma_wait3A_232 = tpu.memref_slice %arg23[%dma_wait3A_230, %dma_wait3A_231] : memref<10240x16xf32, #tpu.memory_space<vmem_shared>> -> memref<10240x16xf32, #tpu.memory_space<vmem_shared>>
        tpu.wait_indirect_dma semaphore(%arg25 : memref<!tpu.dma_semaphore, #tpu.memory_space<semaphore_mem>>) src(%dma_wait3A_232 : memref<10240x16xf32, #tpu.memory_space<vmem_shared>>) dst(%arg9 : memref<128x16xf32, #tpu.memory_space<vmem>>)
        %dma_wait3A_233 = arith.constant 0 : i32
        %dma_wait3A_234 = arith.constant 0 : i32
        %dma_wait3A_235 = tpu.memref_slice %arg22[%dma_wait3A_233, %dma_wait3A_234] : memref<320x16xf32, #tpu.memory_space<vmem>> -> memref<128x16xf32, #tpu.memory_space<vmem>>
        %dma_wait3A_236 = arith.constant 0 : i32
        %dma_wait3A_237 = tpu.memref_slice %arg7[%scan3A_49, %dma_wait3A_236] : memref<81x128xi32, #tpu.memory_space<vmem>> -> memref<1x128xi32, #tpu.memory_space<vmem>>
        %dma_wait3A_238 = tpu.memref_squeeze %dma_wait3A_237 : memref<1x128xi32, #tpu.memory_space<vmem>> -> memref<128xi32, #tpu.memory_space<vmem>>
        %dma_wait3A_239 = arith.constant 0 : i32
        %dma_wait3A_240 = arith.constant 0 : i32
        %dma_wait3A_241 = tpu.memref_slice %arg24[%dma_wait3A_239, %dma_wait3A_240] : memref<10240x16xf32, #tpu.memory_space<vmem_shared>> -> memref<10240x16xf32, #tpu.memory_space<vmem_shared>>
        tpu.wait_indirect_dma semaphore(%arg34 : memref<!tpu.dma_semaphore, #tpu.memory_space<semaphore_mem>>) src(%dma_wait3A_235 : memref<128x16xf32, #tpu.memory_space<vmem>>) dst(%dma_wait3A_241 : memref<10240x16xf32, #tpu.memory_space<vmem_shared>>)
        %add3A_242 = arith.constant 1 : i32
        %add3A_243 = arith.addi %add3A_225, %add3A_242 : i32
        %dma_start3A_244 = arith.constant 0 : i32
        %dma_start3A_245 = tpu.memref_slice %arg7[%add3A_243, %dma_start3A_244] : memref<81x128xi32, #tpu.memory_space<vmem>> -> memref<1x128xi32, #tpu.memory_space<vmem>>
        %dma_start3A_246 = tpu.memref_squeeze %dma_start3A_245 : memref<1x128xi32, #tpu.memory_space<vmem>> -> memref<128xi32, #tpu.memory_space<vmem>>
        %dma_start3A_247 = arith.constant 0 : i32
        %dma_start3A_248 = arith.constant 0 : i32
        %dma_start3A_249 = tpu.memref_slice %arg23[%dma_start3A_247, %dma_start3A_248] : memref<10240x16xf32, #tpu.memory_space<vmem_shared>> -> memref<10240x16xf32, #tpu.memory_space<vmem_shared>>
        tpu.enqueue_indirect_dma source(%dma_start3A_249 : memref<10240x16xf32, #tpu.memory_space<vmem_shared>>) target(%arg10 : memref<128x16xf32, #tpu.memory_space<vmem>>) offsets(%dma_start3A_246 : memref<128xi32, #tpu.memory_space<vmem>>) semaphore(%arg26 : memref<!tpu.dma_semaphore, #tpu.memory_space<semaphore_mem>>)
        %dma_start3A_250 = arith.constant 0 : i32
        %dma_start3A_251 = tpu.memref_slice %arg8[%add3A_225, %dma_start3A_250] : memref<81x128xi32, #tpu.memory_space<vmem>> -> memref<1x128xi32, #tpu.memory_space<vmem>>
        %dma_start3A_252 = tpu.memref_squeeze %dma_start3A_251 : memref<1x128xi32, #tpu.memory_space<vmem>> -> memref<128xi32, #tpu.memory_space<vmem>>
        %dma_start3A_253 = arith.constant 0 : i32
        %dma_start3A_254 = arith.constant 0 : i32
        %dma_start3A_255 = tpu.memref_slice %arg24[%dma_start3A_253, %dma_start3A_254] : memref<10240x16xf32, #tpu.memory_space<vmem_shared>> -> memref<10240x16xf32, #tpu.memory_space<vmem_shared>>
        tpu.enqueue_indirect_dma source(%arg9 : memref<128x16xf32, #tpu.memory_space<vmem>>) target(%dma_start3A_255 : memref<10240x16xf32, #tpu.memory_space<vmem_shared>>) offsets(%dma_start3A_252 : memref<128xi32, #tpu.memory_space<vmem>>) semaphore(%arg33 : memref<!tpu.dma_semaphore, #tpu.memory_space<semaphore_mem>>) {add = true}
        %add3A_256 = arith.constant 1 : i32
        %add3A_257 = arith.addi %mul3A_223, %add3A_256 : i32
        %dma_wait3A_258 = arith.constant 0 : i32
        %dma_wait3A_259 = arith.constant 0 : i32
        %dma_wait3A_260 = tpu.memref_slice %arg7[%dma_wait3A_258, %dma_wait3A_259] : memref<81x128xi32, #tpu.memory_space<vmem>> -> memref<1x128xi32, #tpu.memory_space<vmem>>
        %dma_wait3A_261 = tpu.memref_squeeze %dma_wait3A_260 : memref<1x128xi32, #tpu.memory_space<vmem>> -> memref<128xi32, #tpu.memory_space<vmem>>
        %dma_wait3A_262 = arith.constant 0 : i32
        %dma_wait3A_263 = arith.constant 0 : i32
        %dma_wait3A_264 = tpu.memref_slice %arg23[%dma_wait3A_262, %dma_wait3A_263] : memref<10240x16xf32, #tpu.memory_space<vmem_shared>> -> memref<10240x16xf32, #tpu.memory_space<vmem_shared>>
        tpu.wait_indirect_dma semaphore(%arg26 : memref<!tpu.dma_semaphore, #tpu.memory_space<semaphore_mem>>) src(%dma_wait3A_264 : memref<10240x16xf32, #tpu.memory_space<vmem_shared>>) dst(%arg10 : memref<128x16xf32, #tpu.memory_space<vmem>>)
        %dma_wait3A_265 = arith.constant 0 : i32
        %dma_wait3A_266 = arith.constant 0 : i32
        %dma_wait3A_267 = tpu.memref_slice %arg22[%dma_wait3A_265, %dma_wait3A_266] : memref<320x16xf32, #tpu.memory_space<vmem>> -> memref<128x16xf32, #tpu.memory_space<vmem>>
        %dma_wait3A_268 = arith.constant 0 : i32
        %dma_wait3A_269 = tpu.memref_slice %arg7[%scan3A_49, %dma_wait3A_268] : memref<81x128xi32, #tpu.memory_space<vmem>> -> memref<1x128xi32, #tpu.memory_space<vmem>>
        %dma_wait3A_270 = tpu.memref_squeeze %dma_wait3A_269 : memref<1x128xi32, #tpu.memory_space<vmem>> -> memref<128xi32, #tpu.memory_space<vmem>>
        %dma_wait3A_271 = arith.constant 0 : i32
        %dma_wait3A_272 = arith.constant 0 : i32
        %dma_wait3A_273 = tpu.memref_slice %arg24[%dma_wait3A_271, %dma_wait3A_272] : memref<10240x16xf32, #tpu.memory_space<vmem_shared>> -> memref<10240x16xf32, #tpu.memory_space<vmem_shared>>
        tpu.wait_indirect_dma semaphore(%arg35 : memref<!tpu.dma_semaphore, #tpu.memory_space<semaphore_mem>>) src(%dma_wait3A_267 : memref<128x16xf32, #tpu.memory_space<vmem>>) dst(%dma_wait3A_273 : memref<10240x16xf32, #tpu.memory_space<vmem_shared>>)
        %add3A_274 = arith.constant 1 : i32
        %add3A_275 = arith.addi %add3A_257, %add3A_274 : i32
        %dma_start3A_276 = arith.constant 0 : i32
        %dma_start3A_277 = tpu.memref_slice %arg7[%add3A_275, %dma_start3A_276] : memref<81x128xi32, #tpu.memory_space<vmem>> -> memref<1x128xi32, #tpu.memory_space<vmem>>
        %dma_start3A_278 = tpu.memref_squeeze %dma_start3A_277 : memref<1x128xi32, #tpu.memory_space<vmem>> -> memref<128xi32, #tpu.memory_space<vmem>>
        %dma_start3A_279 = arith.constant 0 : i32
        %dma_start3A_280 = arith.constant 0 : i32
        %dma_start3A_281 = tpu.memref_slice %arg23[%dma_start3A_279, %dma_start3A_280] : memref<10240x16xf32, #tpu.memory_space<vmem_shared>> -> memref<10240x16xf32, #tpu.memory_space<vmem_shared>>
        tpu.enqueue_indirect_dma source(%dma_start3A_281 : memref<10240x16xf32, #tpu.memory_space<vmem_shared>>) target(%arg11 : memref<128x16xf32, #tpu.memory_space<vmem>>) offsets(%dma_start3A_278 : memref<128xi32, #tpu.memory_space<vmem>>) semaphore(%arg27 : memref<!tpu.dma_semaphore, #tpu.memory_space<semaphore_mem>>)
        %dma_start3A_282 = arith.constant 0 : i32
        %dma_start3A_283 = tpu.memref_slice %arg8[%add3A_257, %dma_start3A_282] : memref<81x128xi32, #tpu.memory_space<vmem>> -> memref<1x128xi32, #tpu.memory_space<vmem>>
        %dma_start3A_284 = tpu.memref_squeeze %dma_start3A_283 : memref<1x128xi32, #tpu.memory_space<vmem>> -> memref<128xi32, #tpu.memory_space<vmem>>
        %dma_start3A_285 = arith.constant 0 : i32
        %dma_start3A_286 = arith.constant 0 : i32
        %dma_start3A_287 = tpu.memref_slice %arg24[%dma_start3A_285, %dma_start3A_286] : memref<10240x16xf32, #tpu.memory_space<vmem_shared>> -> memref<10240x16xf32, #tpu.memory_space<vmem_shared>>
        tpu.enqueue_indirect_dma source(%arg10 : memref<128x16xf32, #tpu.memory_space<vmem>>) target(%dma_start3A_287 : memref<10240x16xf32, #tpu.memory_space<vmem_shared>>) offsets(%dma_start3A_284 : memref<128xi32, #tpu.memory_space<vmem>>) semaphore(%arg34 : memref<!tpu.dma_semaphore, #tpu.memory_space<semaphore_mem>>) {add = true}
        %add3A_288 = arith.constant 2 : i32
        %add3A_289 = arith.addi %mul3A_223, %add3A_288 : i32
        %dma_wait3A_290 = arith.constant 0 : i32
        %dma_wait3A_291 = arith.constant 0 : i32
        %dma_wait3A_292 = tpu.memref_slice %arg7[%dma_wait3A_290, %dma_wait3A_291] : memref<81x128xi32, #tpu.memory_space<vmem>> -> memref<1x128xi32, #tpu.memory_space<vmem>>
        %dma_wait3A_293 = tpu.memref_squeeze %dma_wait3A_292 : memref<1x128xi32, #tpu.memory_space<vmem>> -> memref<128xi32, #tpu.memory_space<vmem>>
        %dma_wait3A_294 = arith.constant 0 : i32
        %dma_wait3A_295 = arith.constant 0 : i32
        %dma_wait3A_296 = tpu.memref_slice %arg23[%dma_wait3A_294, %dma_wait3A_295] : memref<10240x16xf32, #tpu.memory_space<vmem_shared>> -> memref<10240x16xf32, #tpu.memory_space<vmem_shared>>
        tpu.wait_indirect_dma semaphore(%arg27 : memref<!tpu.dma_semaphore, #tpu.memory_space<semaphore_mem>>) src(%dma_wait3A_296 : memref<10240x16xf32, #tpu.memory_space<vmem_shared>>) dst(%arg11 : memref<128x16xf32, #tpu.memory_space<vmem>>)
        %dma_wait3A_297 = arith.constant 0 : i32
        %dma_wait3A_298 = arith.constant 0 : i32
        %dma_wait3A_299 = tpu.memref_slice %arg22[%dma_wait3A_297, %dma_wait3A_298] : memref<320x16xf32, #tpu.memory_space<vmem>> -> memref<128x16xf32, #tpu.memory_space<vmem>>
        %dma_wait3A_300 = arith.constant 0 : i32
        %dma_wait3A_301 = tpu.memref_slice %arg7[%scan3A_49, %dma_wait3A_300] : memref<81x128xi32, #tpu.memory_space<vmem>> -> memref<1x128xi32, #tpu.memory_space<vmem>>
        %dma_wait3A_302 = tpu.memref_squeeze %dma_wait3A_301 : memref<1x128xi32, #tpu.memory_space<vmem>> -> memref<128xi32, #tpu.memory_space<vmem>>
        %dma_wait3A_303 = arith.constant 0 : i32
        %dma_wait3A_304 = arith.constant 0 : i32
        %dma_wait3A_305 = tpu.memref_slice %arg24[%dma_wait3A_303, %dma_wait3A_304] : memref<10240x16xf32, #tpu.memory_space<vmem_shared>> -> memref<10240x16xf32, #tpu.memory_space<vmem_shared>>
        tpu.wait_indirect_dma semaphore(%arg36 : memref<!tpu.dma_semaphore, #tpu.memory_space<semaphore_mem>>) src(%dma_wait3A_299 : memref<128x16xf32, #tpu.memory_space<vmem>>) dst(%dma_wait3A_305 : memref<10240x16xf32, #tpu.memory_space<vmem_shared>>)
        %add3A_306 = arith.constant 1 : i32
        %add3A_307 = arith.addi %add3A_289, %add3A_306 : i32
        %dma_start3A_308 = arith.constant 0 : i32
        %dma_start3A_309 = tpu.memref_slice %arg7[%add3A_307, %dma_start3A_308] : memref<81x128xi32, #tpu.memory_space<vmem>> -> memref<1x128xi32, #tpu.memory_space<vmem>>
        %dma_start3A_310 = tpu.memref_squeeze %dma_start3A_309 : memref<1x128xi32, #tpu.memory_space<vmem>> -> memref<128xi32, #tpu.memory_space<vmem>>
        %dma_start3A_311 = arith.constant 0 : i32
        %dma_start3A_312 = arith.constant 0 : i32
        %dma_start3A_313 = tpu.memref_slice %arg23[%dma_start3A_311, %dma_start3A_312] : memref<10240x16xf32, #tpu.memory_space<vmem_shared>> -> memref<10240x16xf32, #tpu.memory_space<vmem_shared>>
        tpu.enqueue_indirect_dma source(%dma_start3A_313 : memref<10240x16xf32, #tpu.memory_space<vmem_shared>>) target(%arg12 : memref<128x16xf32, #tpu.memory_space<vmem>>) offsets(%dma_start3A_310 : memref<128xi32, #tpu.memory_space<vmem>>) semaphore(%arg28 : memref<!tpu.dma_semaphore, #tpu.memory_space<semaphore_mem>>)
        %dma_start3A_314 = arith.constant 0 : i32
        %dma_start3A_315 = tpu.memref_slice %arg8[%add3A_289, %dma_start3A_314] : memref<81x128xi32, #tpu.memory_space<vmem>> -> memref<1x128xi32, #tpu.memory_space<vmem>>
        %dma_start3A_316 = tpu.memref_squeeze %dma_start3A_315 : memref<1x128xi32, #tpu.memory_space<vmem>> -> memref<128xi32, #tpu.memory_space<vmem>>
        %dma_start3A_317 = arith.constant 0 : i32
        %dma_start3A_318 = arith.constant 0 : i32
        %dma_start3A_319 = tpu.memref_slice %arg24[%dma_start3A_317, %dma_start3A_318] : memref<10240x16xf32, #tpu.memory_space<vmem_shared>> -> memref<10240x16xf32, #tpu.memory_space<vmem_shared>>
        tpu.enqueue_indirect_dma source(%arg11 : memref<128x16xf32, #tpu.memory_space<vmem>>) target(%dma_start3A_319 : memref<10240x16xf32, #tpu.memory_space<vmem_shared>>) offsets(%dma_start3A_316 : memref<128xi32, #tpu.memory_space<vmem>>) semaphore(%arg35 : memref<!tpu.dma_semaphore, #tpu.memory_space<semaphore_mem>>) {add = true}
        %add3A_320 = arith.constant 3 : i32
        %add3A_321 = arith.addi %mul3A_223, %add3A_320 : i32
        %dma_wait3A_322 = arith.constant 0 : i32
        %dma_wait3A_323 = arith.constant 0 : i32
        %dma_wait3A_324 = tpu.memref_slice %arg7[%dma_wait3A_322, %dma_wait3A_323] : memref<81x128xi32, #tpu.memory_space<vmem>> -> memref<1x128xi32, #tpu.memory_space<vmem>>
        %dma_wait3A_325 = tpu.memref_squeeze %dma_wait3A_324 : memref<1x128xi32, #tpu.memory_space<vmem>> -> memref<128xi32, #tpu.memory_space<vmem>>
        %dma_wait3A_326 = arith.constant 0 : i32
        %dma_wait3A_327 = arith.constant 0 : i32
        %dma_wait3A_328 = tpu.memref_slice %arg23[%dma_wait3A_326, %dma_wait3A_327] : memref<10240x16xf32, #tpu.memory_space<vmem_shared>> -> memref<10240x16xf32, #tpu.memory_space<vmem_shared>>
        tpu.wait_indirect_dma semaphore(%arg28 : memref<!tpu.dma_semaphore, #tpu.memory_space<semaphore_mem>>) src(%dma_wait3A_328 : memref<10240x16xf32, #tpu.memory_space<vmem_shared>>) dst(%arg12 : memref<128x16xf32, #tpu.memory_space<vmem>>)
        %dma_wait3A_329 = arith.constant 0 : i32
        %dma_wait3A_330 = arith.constant 0 : i32
        %dma_wait3A_331 = tpu.memref_slice %arg22[%dma_wait3A_329, %dma_wait3A_330] : memref<320x16xf32, #tpu.memory_space<vmem>> -> memref<128x16xf32, #tpu.memory_space<vmem>>
        %dma_wait3A_332 = arith.constant 0 : i32
        %dma_wait3A_333 = tpu.memref_slice %arg7[%scan3A_49, %dma_wait3A_332] : memref<81x128xi32, #tpu.memory_space<vmem>> -> memref<1x128xi32, #tpu.memory_space<vmem>>
        %dma_wait3A_334 = tpu.memref_squeeze %dma_wait3A_333 : memref<1x128xi32, #tpu.memory_space<vmem>> -> memref<128xi32, #tpu.memory_space<vmem>>
        %dma_wait3A_335 = arith.constant 0 : i32
        %dma_wait3A_336 = arith.constant 0 : i32
        %dma_wait3A_337 = tpu.memref_slice %arg24[%dma_wait3A_335, %dma_wait3A_336] : memref<10240x16xf32, #tpu.memory_space<vmem_shared>> -> memref<10240x16xf32, #tpu.memory_space<vmem_shared>>
        tpu.wait_indirect_dma semaphore(%arg37 : memref<!tpu.dma_semaphore, #tpu.memory_space<semaphore_mem>>) src(%dma_wait3A_331 : memref<128x16xf32, #tpu.memory_space<vmem>>) dst(%dma_wait3A_337 : memref<10240x16xf32, #tpu.memory_space<vmem_shared>>)
        %add3A_338 = arith.constant 1 : i32
        %add3A_339 = arith.addi %add3A_321, %add3A_338 : i32
        %dma_start3A_340 = arith.constant 0 : i32
        %dma_start3A_341 = tpu.memref_slice %arg7[%add3A_339, %dma_start3A_340] : memref<81x128xi32, #tpu.memory_space<vmem>> -> memref<1x128xi32, #tpu.memory_space<vmem>>
        %dma_start3A_342 = tpu.memref_squeeze %dma_start3A_341 : memref<1x128xi32, #tpu.memory_space<vmem>> -> memref<128xi32, #tpu.memory_space<vmem>>
        %dma_start3A_343 = arith.constant 0 : i32
        %dma_start3A_344 = arith.constant 0 : i32
        %dma_start3A_345 = tpu.memref_slice %arg23[%dma_start3A_343, %dma_start3A_344] : memref<10240x16xf32, #tpu.memory_space<vmem_shared>> -> memref<10240x16xf32, #tpu.memory_space<vmem_shared>>
        tpu.enqueue_indirect_dma source(%dma_start3A_345 : memref<10240x16xf32, #tpu.memory_space<vmem_shared>>) target(%arg13 : memref<128x16xf32, #tpu.memory_space<vmem>>) offsets(%dma_start3A_342 : memref<128xi32, #tpu.memory_space<vmem>>) semaphore(%arg29 : memref<!tpu.dma_semaphore, #tpu.memory_space<semaphore_mem>>)
        %dma_start3A_346 = arith.constant 0 : i32
        %dma_start3A_347 = tpu.memref_slice %arg8[%add3A_321, %dma_start3A_346] : memref<81x128xi32, #tpu.memory_space<vmem>> -> memref<1x128xi32, #tpu.memory_space<vmem>>
        %dma_start3A_348 = tpu.memref_squeeze %dma_start3A_347 : memref<1x128xi32, #tpu.memory_space<vmem>> -> memref<128xi32, #tpu.memory_space<vmem>>
        %dma_start3A_349 = arith.constant 0 : i32
        %dma_start3A_350 = arith.constant 0 : i32
        %dma_start3A_351 = tpu.memref_slice %arg24[%dma_start3A_349, %dma_start3A_350] : memref<10240x16xf32, #tpu.memory_space<vmem_shared>> -> memref<10240x16xf32, #tpu.memory_space<vmem_shared>>
        tpu.enqueue_indirect_dma source(%arg12 : memref<128x16xf32, #tpu.memory_space<vmem>>) target(%dma_start3A_351 : memref<10240x16xf32, #tpu.memory_space<vmem_shared>>) offsets(%dma_start3A_348 : memref<128xi32, #tpu.memory_space<vmem>>) semaphore(%arg36 : memref<!tpu.dma_semaphore, #tpu.memory_space<semaphore_mem>>) {add = true}
        %add3A_352 = arith.constant 4 : i32
        %add3A_353 = arith.addi %mul3A_223, %add3A_352 : i32
        %dma_wait3A_354 = arith.constant 0 : i32
        %dma_wait3A_355 = arith.constant 0 : i32
        %dma_wait3A_356 = tpu.memref_slice %arg7[%dma_wait3A_354, %dma_wait3A_355] : memref<81x128xi32, #tpu.memory_space<vmem>> -> memref<1x128xi32, #tpu.memory_space<vmem>>
        %dma_wait3A_357 = tpu.memref_squeeze %dma_wait3A_356 : memref<1x128xi32, #tpu.memory_space<vmem>> -> memref<128xi32, #tpu.memory_space<vmem>>
        %dma_wait3A_358 = arith.constant 0 : i32
        %dma_wait3A_359 = arith.constant 0 : i32
        %dma_wait3A_360 = tpu.memref_slice %arg23[%dma_wait3A_358, %dma_wait3A_359] : memref<10240x16xf32, #tpu.memory_space<vmem_shared>> -> memref<10240x16xf32, #tpu.memory_space<vmem_shared>>
        tpu.wait_indirect_dma semaphore(%arg29 : memref<!tpu.dma_semaphore, #tpu.memory_space<semaphore_mem>>) src(%dma_wait3A_360 : memref<10240x16xf32, #tpu.memory_space<vmem_shared>>) dst(%arg13 : memref<128x16xf32, #tpu.memory_space<vmem>>)
        %dma_wait3A_361 = arith.constant 0 : i32
        %dma_wait3A_362 = arith.constant 0 : i32
        %dma_wait3A_363 = tpu.memref_slice %arg22[%dma_wait3A_361, %dma_wait3A_362] : memref<320x16xf32, #tpu.memory_space<vmem>> -> memref<128x16xf32, #tpu.memory_space<vmem>>
        %dma_wait3A_364 = arith.constant 0 : i32
        %dma_wait3A_365 = tpu.memref_slice %arg7[%scan3A_49, %dma_wait3A_364] : memref<81x128xi32, #tpu.memory_space<vmem>> -> memref<1x128xi32, #tpu.memory_space<vmem>>
        %dma_wait3A_366 = tpu.memref_squeeze %dma_wait3A_365 : memref<1x128xi32, #tpu.memory_space<vmem>> -> memref<128xi32, #tpu.memory_space<vmem>>
        %dma_wait3A_367 = arith.constant 0 : i32
        %dma_wait3A_368 = arith.constant 0 : i32
        %dma_wait3A_369 = tpu.memref_slice %arg24[%dma_wait3A_367, %dma_wait3A_368] : memref<10240x16xf32, #tpu.memory_space<vmem_shared>> -> memref<10240x16xf32, #tpu.memory_space<vmem_shared>>
        tpu.wait_indirect_dma semaphore(%arg38 : memref<!tpu.dma_semaphore, #tpu.memory_space<semaphore_mem>>) src(%dma_wait3A_363 : memref<128x16xf32, #tpu.memory_space<vmem>>) dst(%dma_wait3A_369 : memref<10240x16xf32, #tpu.memory_space<vmem_shared>>)
        %add3A_370 = arith.constant 1 : i32
        %add3A_371 = arith.addi %add3A_353, %add3A_370 : i32
        %dma_start3A_372 = arith.constant 0 : i32
        %dma_start3A_373 = tpu.memref_slice %arg7[%add3A_371, %dma_start3A_372] : memref<81x128xi32, #tpu.memory_space<vmem>> -> memref<1x128xi32, #tpu.memory_space<vmem>>
        %dma_start3A_374 = tpu.memref_squeeze %dma_start3A_373 : memref<1x128xi32, #tpu.memory_space<vmem>> -> memref<128xi32, #tpu.memory_space<vmem>>
        %dma_start3A_375 = arith.constant 0 : i32
        %dma_start3A_376 = arith.constant 0 : i32
        %dma_start3A_377 = tpu.memref_slice %arg23[%dma_start3A_375, %dma_start3A_376] : memref<10240x16xf32, #tpu.memory_space<vmem_shared>> -> memref<10240x16xf32, #tpu.memory_space<vmem_shared>>
        tpu.enqueue_indirect_dma source(%dma_start3A_377 : memref<10240x16xf32, #tpu.memory_space<vmem_shared>>) target(%arg14 : memref<128x16xf32, #tpu.memory_space<vmem>>) offsets(%dma_start3A_374 : memref<128xi32, #tpu.memory_space<vmem>>) semaphore(%arg30 : memref<!tpu.dma_semaphore, #tpu.memory_space<semaphore_mem>>)
        %dma_start3A_378 = arith.constant 0 : i32
        %dma_start3A_379 = tpu.memref_slice %arg8[%add3A_353, %dma_start3A_378] : memref<81x128xi32, #tpu.memory_space<vmem>> -> memref<1x128xi32, #tpu.memory_space<vmem>>
        %dma_start3A_380 = tpu.memref_squeeze %dma_start3A_379 : memref<1x128xi32, #tpu.memory_space<vmem>> -> memref<128xi32, #tpu.memory_space<vmem>>
        %dma_start3A_381 = arith.constant 0 : i32
        %dma_start3A_382 = arith.constant 0 : i32
        %dma_start3A_383 = tpu.memref_slice %arg24[%dma_start3A_381, %dma_start3A_382] : memref<10240x16xf32, #tpu.memory_space<vmem_shared>> -> memref<10240x16xf32, #tpu.memory_space<vmem_shared>>
        tpu.enqueue_indirect_dma source(%arg13 : memref<128x16xf32, #tpu.memory_space<vmem>>) target(%dma_start3A_383 : memref<10240x16xf32, #tpu.memory_space<vmem_shared>>) offsets(%dma_start3A_380 : memref<128xi32, #tpu.memory_space<vmem>>) semaphore(%arg37 : memref<!tpu.dma_semaphore, #tpu.memory_space<semaphore_mem>>) {add = true}
        %add3A_384 = arith.constant 5 : i32
        %add3A_385 = arith.addi %mul3A_223, %add3A_384 : i32
        %dma_wait3A_386 = arith.constant 0 : i32
        %dma_wait3A_387 = arith.constant 0 : i32
        %dma_wait3A_388 = tpu.memref_slice %arg7[%dma_wait3A_386, %dma_wait3A_387] : memref<81x128xi32, #tpu.memory_space<vmem>> -> memref<1x128xi32, #tpu.memory_space<vmem>>
        %dma_wait3A_389 = tpu.memref_squeeze %dma_wait3A_388 : memref<1x128xi32, #tpu.memory_space<vmem>> -> memref<128xi32, #tpu.memory_space<vmem>>
        %dma_wait3A_390 = arith.constant 0 : i32
        %dma_wait3A_391 = arith.constant 0 : i32
        %dma_wait3A_392 = tpu.memref_slice %arg23[%dma_wait3A_390, %dma_wait3A_391] : memref<10240x16xf32, #tpu.memory_space<vmem_shared>> -> memref<10240x16xf32, #tpu.memory_space<vmem_shared>>
        tpu.wait_indirect_dma semaphore(%arg30 : memref<!tpu.dma_semaphore, #tpu.memory_space<semaphore_mem>>) src(%dma_wait3A_392 : memref<10240x16xf32, #tpu.memory_space<vmem_shared>>) dst(%arg14 : memref<128x16xf32, #tpu.memory_space<vmem>>)
        %dma_wait3A_393 = arith.constant 0 : i32
        %dma_wait3A_394 = arith.constant 0 : i32
        %dma_wait3A_395 = tpu.memref_slice %arg22[%dma_wait3A_393, %dma_wait3A_394] : memref<320x16xf32, #tpu.memory_space<vmem>> -> memref<128x16xf32, #tpu.memory_space<vmem>>
        %dma_wait3A_396 = arith.constant 0 : i32
        %dma_wait3A_397 = tpu.memref_slice %arg7[%scan3A_49, %dma_wait3A_396] : memref<81x128xi32, #tpu.memory_space<vmem>> -> memref<1x128xi32, #tpu.memory_space<vmem>>
        %dma_wait3A_398 = tpu.memref_squeeze %dma_wait3A_397 : memref<1x128xi32, #tpu.memory_space<vmem>> -> memref<128xi32, #tpu.memory_space<vmem>>
        %dma_wait3A_399 = arith.constant 0 : i32
        %dma_wait3A_400 = arith.constant 0 : i32
        %dma_wait3A_401 = tpu.memref_slice %arg24[%dma_wait3A_399, %dma_wait3A_400] : memref<10240x16xf32, #tpu.memory_space<vmem_shared>> -> memref<10240x16xf32, #tpu.memory_space<vmem_shared>>
        tpu.wait_indirect_dma semaphore(%arg39 : memref<!tpu.dma_semaphore, #tpu.memory_space<semaphore_mem>>) src(%dma_wait3A_395 : memref<128x16xf32, #tpu.memory_space<vmem>>) dst(%dma_wait3A_401 : memref<10240x16xf32, #tpu.memory_space<vmem_shared>>)
        %add3A_402 = arith.constant 1 : i32
        %add3A_403 = arith.addi %add3A_385, %add3A_402 : i32
        %dma_start3A_404 = arith.constant 0 : i32
        %dma_start3A_405 = tpu.memref_slice %arg7[%add3A_403, %dma_start3A_404] : memref<81x128xi32, #tpu.memory_space<vmem>> -> memref<1x128xi32, #tpu.memory_space<vmem>>
        %dma_start3A_406 = tpu.memref_squeeze %dma_start3A_405 : memref<1x128xi32, #tpu.memory_space<vmem>> -> memref<128xi32, #tpu.memory_space<vmem>>
        %dma_start3A_407 = arith.constant 0 : i32
        %dma_start3A_408 = arith.constant 0 : i32
        %dma_start3A_409 = tpu.memref_slice %arg23[%dma_start3A_407, %dma_start3A_408] : memref<10240x16xf32, #tpu.memory_space<vmem_shared>> -> memref<10240x16xf32, #tpu.memory_space<vmem_shared>>
        tpu.enqueue_indirect_dma source(%dma_start3A_409 : memref<10240x16xf32, #tpu.memory_space<vmem_shared>>) target(%arg15 : memref<128x16xf32, #tpu.memory_space<vmem>>) offsets(%dma_start3A_406 : memref<128xi32, #tpu.memory_space<vmem>>) semaphore(%arg31 : memref<!tpu.dma_semaphore, #tpu.memory_space<semaphore_mem>>)
        %dma_start3A_410 = arith.constant 0 : i32
        %dma_start3A_411 = tpu.memref_slice %arg8[%add3A_385, %dma_start3A_410] : memref<81x128xi32, #tpu.memory_space<vmem>> -> memref<1x128xi32, #tpu.memory_space<vmem>>
        %dma_start3A_412 = tpu.memref_squeeze %dma_start3A_411 : memref<1x128xi32, #tpu.memory_space<vmem>> -> memref<128xi32, #tpu.memory_space<vmem>>
        %dma_start3A_413 = arith.constant 0 : i32
        %dma_start3A_414 = arith.constant 0 : i32
        %dma_start3A_415 = tpu.memref_slice %arg24[%dma_start3A_413, %dma_start3A_414] : memref<10240x16xf32, #tpu.memory_space<vmem_shared>> -> memref<10240x16xf32, #tpu.memory_space<vmem_shared>>
        tpu.enqueue_indirect_dma source(%arg14 : memref<128x16xf32, #tpu.memory_space<vmem>>) target(%dma_start3A_415 : memref<10240x16xf32, #tpu.memory_space<vmem_shared>>) offsets(%dma_start3A_412 : memref<128xi32, #tpu.memory_space<vmem>>) semaphore(%arg38 : memref<!tpu.dma_semaphore, #tpu.memory_space<semaphore_mem>>) {add = true}
        %add3A_416 = arith.constant 6 : i32
        %add3A_417 = arith.addi %mul3A_223, %add3A_416 : i32
        %dma_wait3A_418 = arith.constant 0 : i32
        %dma_wait3A_419 = arith.constant 0 : i32
        %dma_wait3A_420 = tpu.memref_slice %arg7[%dma_wait3A_418, %dma_wait3A_419] : memref<81x128xi32, #tpu.memory_space<vmem>> -> memref<1x128xi32, #tpu.memory_space<vmem>>
        %dma_wait3A_421 = tpu.memref_squeeze %dma_wait3A_420 : memref<1x128xi32, #tpu.memory_space<vmem>> -> memref<128xi32, #tpu.memory_space<vmem>>
        %dma_wait3A_422 = arith.constant 0 : i32
        %dma_wait3A_423 = arith.constant 0 : i32
        %dma_wait3A_424 = tpu.memref_slice %arg23[%dma_wait3A_422, %dma_wait3A_423] : memref<10240x16xf32, #tpu.memory_space<vmem_shared>> -> memref<10240x16xf32, #tpu.memory_space<vmem_shared>>
        tpu.wait_indirect_dma semaphore(%arg31 : memref<!tpu.dma_semaphore, #tpu.memory_space<semaphore_mem>>) src(%dma_wait3A_424 : memref<10240x16xf32, #tpu.memory_space<vmem_shared>>) dst(%arg15 : memref<128x16xf32, #tpu.memory_space<vmem>>)
        %dma_wait3A_425 = arith.constant 0 : i32
        %dma_wait3A_426 = arith.constant 0 : i32
        %dma_wait3A_427 = tpu.memref_slice %arg22[%dma_wait3A_425, %dma_wait3A_426] : memref<320x16xf32, #tpu.memory_space<vmem>> -> memref<128x16xf32, #tpu.memory_space<vmem>>
        %dma_wait3A_428 = arith.constant 0 : i32
        %dma_wait3A_429 = tpu.memref_slice %arg7[%scan3A_49, %dma_wait3A_428] : memref<81x128xi32, #tpu.memory_space<vmem>> -> memref<1x128xi32, #tpu.memory_space<vmem>>
        %dma_wait3A_430 = tpu.memref_squeeze %dma_wait3A_429 : memref<1x128xi32, #tpu.memory_space<vmem>> -> memref<128xi32, #tpu.memory_space<vmem>>
        %dma_wait3A_431 = arith.constant 0 : i32
        %dma_wait3A_432 = arith.constant 0 : i32
        %dma_wait3A_433 = tpu.memref_slice %arg24[%dma_wait3A_431, %dma_wait3A_432] : memref<10240x16xf32, #tpu.memory_space<vmem_shared>> -> memref<10240x16xf32, #tpu.memory_space<vmem_shared>>
        tpu.wait_indirect_dma semaphore(%arg40 : memref<!tpu.dma_semaphore, #tpu.memory_space<semaphore_mem>>) src(%dma_wait3A_427 : memref<128x16xf32, #tpu.memory_space<vmem>>) dst(%dma_wait3A_433 : memref<10240x16xf32, #tpu.memory_space<vmem_shared>>)
        %add3A_434 = arith.constant 1 : i32
        %add3A_435 = arith.addi %add3A_417, %add3A_434 : i32
        %dma_start3A_436 = arith.constant 0 : i32
        %dma_start3A_437 = tpu.memref_slice %arg7[%add3A_435, %dma_start3A_436] : memref<81x128xi32, #tpu.memory_space<vmem>> -> memref<1x128xi32, #tpu.memory_space<vmem>>
        %dma_start3A_438 = tpu.memref_squeeze %dma_start3A_437 : memref<1x128xi32, #tpu.memory_space<vmem>> -> memref<128xi32, #tpu.memory_space<vmem>>
        %dma_start3A_439 = arith.constant 0 : i32
        %dma_start3A_440 = arith.constant 0 : i32
        %dma_start3A_441 = tpu.memref_slice %arg23[%dma_start3A_439, %dma_start3A_440] : memref<10240x16xf32, #tpu.memory_space<vmem_shared>> -> memref<10240x16xf32, #tpu.memory_space<vmem_shared>>
        tpu.enqueue_indirect_dma source(%dma_start3A_441 : memref<10240x16xf32, #tpu.memory_space<vmem_shared>>) target(%arg16 : memref<128x16xf32, #tpu.memory_space<vmem>>) offsets(%dma_start3A_438 : memref<128xi32, #tpu.memory_space<vmem>>) semaphore(%arg32 : memref<!tpu.dma_semaphore, #tpu.memory_space<semaphore_mem>>)
        %dma_start3A_442 = arith.constant 0 : i32
        %dma_start3A_443 = tpu.memref_slice %arg8[%add3A_417, %dma_start3A_442] : memref<81x128xi32, #tpu.memory_space<vmem>> -> memref<1x128xi32, #tpu.memory_space<vmem>>
        %dma_start3A_444 = tpu.memref_squeeze %dma_start3A_443 : memref<1x128xi32, #tpu.memory_space<vmem>> -> memref<128xi32, #tpu.memory_space<vmem>>
        %dma_start3A_445 = arith.constant 0 : i32
        %dma_start3A_446 = arith.constant 0 : i32
        %dma_start3A_447 = tpu.memref_slice %arg24[%dma_start3A_445, %dma_start3A_446] : memref<10240x16xf32, #tpu.memory_space<vmem_shared>> -> memref<10240x16xf32, #tpu.memory_space<vmem_shared>>
        tpu.enqueue_indirect_dma source(%arg15 : memref<128x16xf32, #tpu.memory_space<vmem>>) target(%dma_start3A_447 : memref<10240x16xf32, #tpu.memory_space<vmem_shared>>) offsets(%dma_start3A_444 : memref<128xi32, #tpu.memory_space<vmem>>) semaphore(%arg39 : memref<!tpu.dma_semaphore, #tpu.memory_space<semaphore_mem>>) {add = true}
        %add3A_448 = arith.constant 7 : i32
        %add3A_449 = arith.addi %mul3A_223, %add3A_448 : i32
        %dma_wait3A_450 = arith.constant 0 : i32
        %dma_wait3A_451 = arith.constant 0 : i32
        %dma_wait3A_452 = tpu.memref_slice %arg7[%dma_wait3A_450, %dma_wait3A_451] : memref<81x128xi32, #tpu.memory_space<vmem>> -> memref<1x128xi32, #tpu.memory_space<vmem>>
        %dma_wait3A_453 = tpu.memref_squeeze %dma_wait3A_452 : memref<1x128xi32, #tpu.memory_space<vmem>> -> memref<128xi32, #tpu.memory_space<vmem>>
        %dma_wait3A_454 = arith.constant 0 : i32
        %dma_wait3A_455 = arith.constant 0 : i32
        %dma_wait3A_456 = tpu.memref_slice %arg23[%dma_wait3A_454, %dma_wait3A_455] : memref<10240x16xf32, #tpu.memory_space<vmem_shared>> -> memref<10240x16xf32, #tpu.memory_space<vmem_shared>>
        tpu.wait_indirect_dma semaphore(%arg32 : memref<!tpu.dma_semaphore, #tpu.memory_space<semaphore_mem>>) src(%dma_wait3A_456 : memref<10240x16xf32, #tpu.memory_space<vmem_shared>>) dst(%arg16 : memref<128x16xf32, #tpu.memory_space<vmem>>)
        %dma_wait3A_457 = arith.constant 0 : i32
        %dma_wait3A_458 = arith.constant 0 : i32
        %dma_wait3A_459 = tpu.memref_slice %arg22[%dma_wait3A_457, %dma_wait3A_458] : memref<320x16xf32, #tpu.memory_space<vmem>> -> memref<128x16xf32, #tpu.memory_space<vmem>>
        %dma_wait3A_460 = arith.constant 0 : i32
        %dma_wait3A_461 = tpu.memref_slice %arg7[%scan3A_49, %dma_wait3A_460] : memref<81x128xi32, #tpu.memory_space<vmem>> -> memref<1x128xi32, #tpu.memory_space<vmem>>
        %dma_wait3A_462 = tpu.memref_squeeze %dma_wait3A_461 : memref<1x128xi32, #tpu.memory_space<vmem>> -> memref<128xi32, #tpu.memory_space<vmem>>
        %dma_wait3A_463 = arith.constant 0 : i32
        %dma_wait3A_464 = arith.constant 0 : i32
        %dma_wait3A_465 = tpu.memref_slice %arg24[%dma_wait3A_463, %dma_wait3A_464] : memref<10240x16xf32, #tpu.memory_space<vmem_shared>> -> memref<10240x16xf32, #tpu.memory_space<vmem_shared>>
        tpu.wait_indirect_dma semaphore(%arg33 : memref<!tpu.dma_semaphore, #tpu.memory_space<semaphore_mem>>) src(%dma_wait3A_459 : memref<128x16xf32, #tpu.memory_space<vmem>>) dst(%dma_wait3A_465 : memref<10240x16xf32, #tpu.memory_space<vmem_shared>>)
        %add3A_466 = arith.constant 1 : i32
        %add3A_467 = arith.addi %add3A_449, %add3A_466 : i32
        %dma_start3A_468 = arith.constant 0 : i32
        %dma_start3A_469 = tpu.memref_slice %arg7[%add3A_467, %dma_start3A_468] : memref<81x128xi32, #tpu.memory_space<vmem>> -> memref<1x128xi32, #tpu.memory_space<vmem>>
        %dma_start3A_470 = tpu.memref_squeeze %dma_start3A_469 : memref<1x128xi32, #tpu.memory_space<vmem>> -> memref<128xi32, #tpu.memory_space<vmem>>
        %dma_start3A_471 = arith.constant 0 : i32
        %dma_start3A_472 = arith.constant 0 : i32
        %dma_start3A_473 = tpu.memref_slice %arg23[%dma_start3A_471, %dma_start3A_472] : memref<10240x16xf32, #tpu.memory_space<vmem_shared>> -> memref<10240x16xf32, #tpu.memory_space<vmem_shared>>
        tpu.enqueue_indirect_dma source(%dma_start3A_473 : memref<10240x16xf32, #tpu.memory_space<vmem_shared>>) target(%arg9 : memref<128x16xf32, #tpu.memory_space<vmem>>) offsets(%dma_start3A_470 : memref<128xi32, #tpu.memory_space<vmem>>) semaphore(%arg25 : memref<!tpu.dma_semaphore, #tpu.memory_space<semaphore_mem>>)
        %dma_start3A_474 = arith.constant 0 : i32
        %dma_start3A_475 = tpu.memref_slice %arg8[%add3A_449, %dma_start3A_474] : memref<81x128xi32, #tpu.memory_space<vmem>> -> memref<1x128xi32, #tpu.memory_space<vmem>>
        %dma_start3A_476 = tpu.memref_squeeze %dma_start3A_475 : memref<1x128xi32, #tpu.memory_space<vmem>> -> memref<128xi32, #tpu.memory_space<vmem>>
        %dma_start3A_477 = arith.constant 0 : i32
        %dma_start3A_478 = arith.constant 0 : i32
        %dma_start3A_479 = tpu.memref_slice %arg24[%dma_start3A_477, %dma_start3A_478] : memref<10240x16xf32, #tpu.memory_space<vmem_shared>> -> memref<10240x16xf32, #tpu.memory_space<vmem_shared>>
        tpu.enqueue_indirect_dma source(%arg16 : memref<128x16xf32, #tpu.memory_space<vmem>>) target(%dma_start3A_479 : memref<10240x16xf32, #tpu.memory_space<vmem_shared>>) offsets(%dma_start3A_476 : memref<128xi32, #tpu.memory_space<vmem>>) semaphore(%arg40 : memref<!tpu.dma_semaphore, #tpu.memory_space<semaphore_mem>>) {add = true}
      }
      %scan3A_130 = arith.constant 10 : i32
      %dma_wait3A = arith.constant 0 : i32
      %dma_wait3A_131 = arith.constant 0 : i32
      %dma_wait3A_132 = tpu.memref_slice %arg7[%dma_wait3A, %dma_wait3A_131] : memref<81x128xi32, #tpu.memory_space<vmem>> -> memref<1x128xi32, #tpu.memory_space<vmem>>
      %dma_wait3A_133 = tpu.memref_squeeze %dma_wait3A_132 : memref<1x128xi32, #tpu.memory_space<vmem>> -> memref<128xi32, #tpu.memory_space<vmem>>
      %dma_wait3A_134 = arith.constant 0 : i32
      %dma_wait3A_135 = arith.constant 0 : i32
      %dma_wait3A_136 = tpu.memref_slice %arg23[%dma_wait3A_134, %dma_wait3A_135] : memref<10240x16xf32, #tpu.memory_space<vmem_shared>> -> memref<10240x16xf32, #tpu.memory_space<vmem_shared>>
      tpu.wait_indirect_dma semaphore(%arg25 : memref<!tpu.dma_semaphore, #tpu.memory_space<semaphore_mem>>) src(%dma_wait3A_136 : memref<10240x16xf32, #tpu.memory_space<vmem_shared>>) dst(%arg9 : memref<128x16xf32, #tpu.memory_space<vmem>>)
      %dma_wait3A_137 = arith.constant 0 : i32
      %dma_wait3A_138 = arith.constant 0 : i32
      %dma_wait3A_139 = tpu.memref_slice %arg22[%dma_wait3A_137, %dma_wait3A_138] : memref<320x16xf32, #tpu.memory_space<vmem>> -> memref<128x16xf32, #tpu.memory_space<vmem>>
      %dma_wait3A_140 = arith.constant 0 : i32
      %dma_wait3A_141 = tpu.memref_slice %arg7[%scan3A_49, %dma_wait3A_140] : memref<81x128xi32, #tpu.memory_space<vmem>> -> memref<1x128xi32, #tpu.memory_space<vmem>>
      %dma_wait3A_142 = tpu.memref_squeeze %dma_wait3A_141 : memref<1x128xi32, #tpu.memory_space<vmem>> -> memref<128xi32, #tpu.memory_space<vmem>>
      %dma_wait3A_143 = arith.constant 0 : i32
      %dma_wait3A_144 = arith.constant 0 : i32
      %dma_wait3A_145 = tpu.memref_slice %arg24[%dma_wait3A_143, %dma_wait3A_144] : memref<10240x16xf32, #tpu.memory_space<vmem_shared>> -> memref<10240x16xf32, #tpu.memory_space<vmem_shared>>
      tpu.wait_indirect_dma semaphore(%arg34 : memref<!tpu.dma_semaphore, #tpu.memory_space<semaphore_mem>>) src(%dma_wait3A_139 : memref<128x16xf32, #tpu.memory_space<vmem>>) dst(%dma_wait3A_145 : memref<10240x16xf32, #tpu.memory_space<vmem_shared>>)
      %dma_wait3A_146 = arith.constant 0 : i32
      %dma_wait3A_147 = arith.constant 0 : i32
      %dma_wait3A_148 = tpu.memref_slice %arg22[%dma_wait3A_146, %dma_wait3A_147] : memref<320x16xf32, #tpu.memory_space<vmem>> -> memref<128x16xf32, #tpu.memory_space<vmem>>
      %dma_wait3A_149 = arith.constant 0 : i32
      %dma_wait3A_150 = tpu.memref_slice %arg7[%scan3A_49, %dma_wait3A_149] : memref<81x128xi32, #tpu.memory_space<vmem>> -> memref<1x128xi32, #tpu.memory_space<vmem>>
      %dma_wait3A_151 = tpu.memref_squeeze %dma_wait3A_150 : memref<1x128xi32, #tpu.memory_space<vmem>> -> memref<128xi32, #tpu.memory_space<vmem>>
      %dma_wait3A_152 = arith.constant 0 : i32
      %dma_wait3A_153 = arith.constant 0 : i32
      %dma_wait3A_154 = tpu.memref_slice %arg24[%dma_wait3A_152, %dma_wait3A_153] : memref<10240x16xf32, #tpu.memory_space<vmem_shared>> -> memref<10240x16xf32, #tpu.memory_space<vmem_shared>>
      tpu.wait_indirect_dma semaphore(%arg35 : memref<!tpu.dma_semaphore, #tpu.memory_space<semaphore_mem>>) src(%dma_wait3A_148 : memref<128x16xf32, #tpu.memory_space<vmem>>) dst(%dma_wait3A_154 : memref<10240x16xf32, #tpu.memory_space<vmem_shared>>)
      %dma_wait3A_155 = arith.constant 0 : i32
      %dma_wait3A_156 = arith.constant 0 : i32
      %dma_wait3A_157 = tpu.memref_slice %arg22[%dma_wait3A_155, %dma_wait3A_156] : memref<320x16xf32, #tpu.memory_space<vmem>> -> memref<128x16xf32, #tpu.memory_space<vmem>>
      %dma_wait3A_158 = arith.constant 0 : i32
      %dma_wait3A_159 = tpu.memref_slice %arg7[%scan3A_49, %dma_wait3A_158] : memref<81x128xi32, #tpu.memory_space<vmem>> -> memref<1x128xi32, #tpu.memory_space<vmem>>
      %dma_wait3A_160 = tpu.memref_squeeze %dma_wait3A_159 : memref<1x128xi32, #tpu.memory_space<vmem>> -> memref<128xi32, #tpu.memory_space<vmem>>
      %dma_wait3A_161 = arith.constant 0 : i32
      %dma_wait3A_162 = arith.constant 0 : i32
      %dma_wait3A_163 = tpu.memref_slice %arg24[%dma_wait3A_161, %dma_wait3A_162] : memref<10240x16xf32, #tpu.memory_space<vmem_shared>> -> memref<10240x16xf32, #tpu.memory_space<vmem_shared>>
      tpu.wait_indirect_dma semaphore(%arg36 : memref<!tpu.dma_semaphore, #tpu.memory_space<semaphore_mem>>) src(%dma_wait3A_157 : memref<128x16xf32, #tpu.memory_space<vmem>>) dst(%dma_wait3A_163 : memref<10240x16xf32, #tpu.memory_space<vmem_shared>>)
      %dma_wait3A_164 = arith.constant 0 : i32
      %dma_wait3A_165 = arith.constant 0 : i32
      %dma_wait3A_166 = tpu.memref_slice %arg22[%dma_wait3A_164, %dma_wait3A_165] : memref<320x16xf32, #tpu.memory_space<vmem>> -> memref<128x16xf32, #tpu.memory_space<vmem>>
      %dma_wait3A_167 = arith.constant 0 : i32
      %dma_wait3A_168 = tpu.memref_slice %arg7[%scan3A_49, %dma_wait3A_167] : memref<81x128xi32, #tpu.memory_space<vmem>> -> memref<1x128xi32, #tpu.memory_space<vmem>>
      %dma_wait3A_169 = tpu.memref_squeeze %dma_wait3A_168 : memref<1x128xi32, #tpu.memory_space<vmem>> -> memref<128xi32, #tpu.memory_space<vmem>>
      %dma_wait3A_170 = arith.constant 0 : i32
      %dma_wait3A_171 = arith.constant 0 : i32
      %dma_wait3A_172 = tpu.memref_slice %arg24[%dma_wait3A_170, %dma_wait3A_171] : memref<10240x16xf32, #tpu.memory_space<vmem_shared>> -> memref<10240x16xf32, #tpu.memory_space<vmem_shared>>
      tpu.wait_indirect_dma semaphore(%arg37 : memref<!tpu.dma_semaphore, #tpu.memory_space<semaphore_mem>>) src(%dma_wait3A_166 : memref<128x16xf32, #tpu.memory_space<vmem>>) dst(%dma_wait3A_172 : memref<10240x16xf32, #tpu.memory_space<vmem_shared>>)
      %dma_wait3A_173 = arith.constant 0 : i32
      %dma_wait3A_174 = arith.constant 0 : i32
      %dma_wait3A_175 = tpu.memref_slice %arg22[%dma_wait3A_173, %dma_wait3A_174] : memref<320x16xf32, #tpu.memory_space<vmem>> -> memref<128x16xf32, #tpu.memory_space<vmem>>
      %dma_wait3A_176 = arith.constant 0 : i32
      %dma_wait3A_177 = tpu.memref_slice %arg7[%scan3A_49, %dma_wait3A_176] : memref<81x128xi32, #tpu.memory_space<vmem>> -> memref<1x128xi32, #tpu.memory_space<vmem>>
      %dma_wait3A_178 = tpu.memref_squeeze %dma_wait3A_177 : memref<1x128xi32, #tpu.memory_space<vmem>> -> memref<128xi32, #tpu.memory_space<vmem>>
      %dma_wait3A_179 = arith.constant 0 : i32
      %dma_wait3A_180 = arith.constant 0 : i32
      %dma_wait3A_181 = tpu.memref_slice %arg24[%dma_wait3A_179, %dma_wait3A_180] : memref<10240x16xf32, #tpu.memory_space<vmem_shared>> -> memref<10240x16xf32, #tpu.memory_space<vmem_shared>>
      tpu.wait_indirect_dma semaphore(%arg38 : memref<!tpu.dma_semaphore, #tpu.memory_space<semaphore_mem>>) src(%dma_wait3A_175 : memref<128x16xf32, #tpu.memory_space<vmem>>) dst(%dma_wait3A_181 : memref<10240x16xf32, #tpu.memory_space<vmem_shared>>)
      %dma_wait3A_182 = arith.constant 0 : i32
      %dma_wait3A_183 = arith.constant 0 : i32
      %dma_wait3A_184 = tpu.memref_slice %arg22[%dma_wait3A_182, %dma_wait3A_183] : memref<320x16xf32, #tpu.memory_space<vmem>> -> memref<128x16xf32, #tpu.memory_space<vmem>>
      %dma_wait3A_185 = arith.constant 0 : i32
      %dma_wait3A_186 = tpu.memref_slice %arg7[%scan3A_49, %dma_wait3A_185] : memref<81x128xi32, #tpu.memory_space<vmem>> -> memref<1x128xi32, #tpu.memory_space<vmem>>
      %dma_wait3A_187 = tpu.memref_squeeze %dma_wait3A_186 : memref<1x128xi32, #tpu.memory_space<vmem>> -> memref<128xi32, #tpu.memory_space<vmem>>
      %dma_wait3A_188 = arith.constant 0 : i32
      %dma_wait3A_189 = arith.constant 0 : i32
      %dma_wait3A_190 = tpu.memref_slice %arg24[%dma_wait3A_188, %dma_wait3A_189] : memref<10240x16xf32, #tpu.memory_space<vmem_shared>> -> memref<10240x16xf32, #tpu.memory_space<vmem_shared>>
      tpu.wait_indirect_dma semaphore(%arg39 : memref<!tpu.dma_semaphore, #tpu.memory_space<semaphore_mem>>) src(%dma_wait3A_184 : memref<128x16xf32, #tpu.memory_space<vmem>>) dst(%dma_wait3A_190 : memref<10240x16xf32, #tpu.memory_space<vmem_shared>>)
      %dma_wait3A_191 = arith.constant 0 : i32
      %dma_wait3A_192 = arith.constant 0 : i32
      %dma_wait3A_193 = tpu.memref_slice %arg22[%dma_wait3A_191, %dma_wait3A_192] : memref<320x16xf32, #tpu.memory_space<vmem>> -> memref<128x16xf32, #tpu.memory_space<vmem>>
      %dma_wait3A_194 = arith.constant 0 : i32
      %dma_wait3A_195 = tpu.memref_slice %arg7[%scan3A_49, %dma_wait3A_194] : memref<81x128xi32, #tpu.memory_space<vmem>> -> memref<1x128xi32, #tpu.memory_space<vmem>>
      %dma_wait3A_196 = tpu.memref_squeeze %dma_wait3A_195 : memref<1x128xi32, #tpu.memory_space<vmem>> -> memref<128xi32, #tpu.memory_space<vmem>>
      %dma_wait3A_197 = arith.constant 0 : i32
      %dma_wait3A_198 = arith.constant 0 : i32
      %dma_wait3A_199 = tpu.memref_slice %arg24[%dma_wait3A_197, %dma_wait3A_198] : memref<10240x16xf32, #tpu.memory_space<vmem_shared>> -> memref<10240x16xf32, #tpu.memory_space<vmem_shared>>
      tpu.wait_indirect_dma semaphore(%arg40 : memref<!tpu.dma_semaphore, #tpu.memory_space<semaphore_mem>>) src(%dma_wait3A_193 : memref<128x16xf32, #tpu.memory_space<vmem>>) dst(%dma_wait3A_199 : memref<10240x16xf32, #tpu.memory_space<vmem_shared>>)
      %barrier3A_200 = arith.constant 0 : index
      tpu.barrier barrier_id(%barrier3A_200)
      "tpu.region"() ({
        %run_scoped3A = tpu.sem_alloc : memref<!tpu.dma_semaphore, #tpu.memory_space<semaphore_mem>>
        %dma_start3A_221 = arith.constant 0 : i32
        %dma_start3A_222 = tpu.memref_slice %arg24[%multiple_of3A, %dma_start3A_221] : memref<10240x16xf32, #tpu.memory_space<vmem_shared>> -> memref<320x16xf32, #tpu.memory_space<vmem_shared>>
        %dma_start3A_223 = arith.constant 0 : i32
        %dma_start3A_224 = tpu.memref_slice %arg24[%multiple_of3A, %dma_start3A_223] : memref<10240x16xf32, #tpu.memory_space<vmem_shared>> -> memref<320x16xf32, #tpu.memory_space<vmem_shared>>
        tpu.enqueue_dma source(%dma_start3A_224 : memref<320x16xf32, #tpu.memory_space<vmem_shared>>) target(%arg20 : memref<320x16xf32, #tpu.memory_space<vmem>>) target_semaphore(%run_scoped3A : memref<!tpu.dma_semaphore, #tpu.memory_space<semaphore_mem>>)
        %dma_wait3A_225 = arith.constant 0 : i32
        %dma_wait3A_226 = tpu.memref_slice %arg24[%multiple_of3A, %dma_wait3A_225] : memref<10240x16xf32, #tpu.memory_space<vmem_shared>> -> memref<320x16xf32, #tpu.memory_space<vmem_shared>>
        %dma_wait3A_227 = arith.constant 0 : i32
        %dma_wait3A_228 = tpu.memref_slice %arg24[%multiple_of3A, %dma_wait3A_227] : memref<10240x16xf32, #tpu.memory_space<vmem_shared>> -> memref<320x16xf32, #tpu.memory_space<vmem_shared>>
        tpu.wait_dma2 semaphore(%run_scoped3A : memref<!tpu.dma_semaphore, #tpu.memory_space<semaphore_mem>>) src(%dma_wait3A_228 : memref<320x16xf32, #tpu.memory_space<vmem_shared>>) dst(%arg20 : memref<320x16xf32, #tpu.memory_space<vmem>>)
        tpu.yield
      }) : () -> ()
      "tpu.region"() ({
        %run_scoped3A = tpu.sem_alloc : memref<!tpu.dma_semaphore, #tpu.memory_space<semaphore_mem>>
        %dma_start3A_221 = arith.constant 0 : i32
        %dma_start3A_222 = tpu.memref_slice %arg6[%arg0, %multiple_of3A_9, %dma_start3A_221] : memref<2x10240x16xf32, #tpu.memory_space<hbm>> -> memref<1x320x16xf32, #tpu.memory_space<hbm>>
        %dma_start3A_223 = tpu.memref_squeeze %dma_start3A_222 : memref<1x320x16xf32, #tpu.memory_space<hbm>> -> memref<320x16xf32, #tpu.memory_space<hbm>>
        %dma_start3A_224 = arith.constant 0 : i32
        %dma_start3A_225 = tpu.memref_slice %arg24[%multiple_of3A_9, %dma_start3A_224] : memref<10240x16xf32, #tpu.memory_space<vmem_shared>> -> memref<320x16xf32, #tpu.memory_space<vmem_shared>>
        tpu.enqueue_dma source(%dma_start3A_225 : memref<320x16xf32, #tpu.memory_space<vmem_shared>>) target(%dma_start3A_223 : memref<320x16xf32, #tpu.memory_space<hbm>>) target_semaphore(%run_scoped3A : memref<!tpu.dma_semaphore, #tpu.memory_space<semaphore_mem>>)
        %dma_wait3A_226 = arith.constant 0 : i32
        %dma_wait3A_227 = tpu.memref_slice %arg6[%arg0, %multiple_of3A_9, %dma_wait3A_226] : memref<2x10240x16xf32, #tpu.memory_space<hbm>> -> memref<1x320x16xf32, #tpu.memory_space<hbm>>
        %dma_wait3A_228 = tpu.memref_squeeze %dma_wait3A_227 : memref<1x320x16xf32, #tpu.memory_space<hbm>> -> memref<320x16xf32, #tpu.memory_space<hbm>>
        %dma_wait3A_229 = arith.constant 0 : i32
        %dma_wait3A_230 = tpu.memref_slice %arg24[%multiple_of3A_9, %dma_wait3A_229] : memref<10240x16xf32, #tpu.memory_space<vmem_shared>> -> memref<320x16xf32, #tpu.memory_space<vmem_shared>>
        tpu.wait_dma2 semaphore(%run_scoped3A : memref<!tpu.dma_semaphore, #tpu.memory_space<semaphore_mem>>) src(%dma_wait3A_230 : memref<320x16xf32, #tpu.memory_space<vmem_shared>>) dst(%dma_wait3A_228 : memref<320x16xf32, #tpu.memory_space<hbm>>)
        tpu.yield
      }) : () -> ()
      "tpu.region"() ({
        %run_scoped3A = tpu.sem_alloc : memref<!tpu.dma_semaphore, #tpu.memory_space<semaphore_mem>>
        %dma_start3A_221 = arith.constant 0 : i32
        %dma_start3A_222 = tpu.memref_slice %arg24[%multiple_of3A, %dma_start3A_221] : memref<10240x16xf32, #tpu.memory_space<vmem_shared>> -> memref<320x16xf32, #tpu.memory_space<vmem_shared>>
        %dma_start3A_223 = arith.constant 0 : i32
        %dma_start3A_224 = tpu.memref_slice %arg24[%multiple_of3A, %dma_start3A_223] : memref<10240x16xf32, #tpu.memory_space<vmem_shared>> -> memref<320x16xf32, #tpu.memory_space<vmem_shared>>
        tpu.enqueue_dma source(%arg22 : memref<320x16xf32, #tpu.memory_space<vmem>>) target(%dma_start3A_224 : memref<320x16xf32, #tpu.memory_space<vmem_shared>>) target_semaphore(%run_scoped3A : memref<!tpu.dma_semaphore, #tpu.memory_space<semaphore_mem>>)
        %dma_wait3A_225 = arith.constant 0 : i32
        %dma_wait3A_226 = tpu.memref_slice %arg24[%multiple_of3A, %dma_wait3A_225] : memref<10240x16xf32, #tpu.memory_space<vmem_shared>> -> memref<320x16xf32, #tpu.memory_space<vmem_shared>>
        %dma_wait3A_227 = arith.constant 0 : i32
        %dma_wait3A_228 = tpu.memref_slice %arg24[%multiple_of3A, %dma_wait3A_227] : memref<10240x16xf32, #tpu.memory_space<vmem_shared>> -> memref<320x16xf32, #tpu.memory_space<vmem_shared>>
        tpu.wait_dma2 semaphore(%run_scoped3A : memref<!tpu.dma_semaphore, #tpu.memory_space<semaphore_mem>>) src(%arg22 : memref<320x16xf32, #tpu.memory_space<vmem>>) dst(%dma_wait3A_228 : memref<320x16xf32, #tpu.memory_space<vmem_shared>>)
        tpu.yield
      }) : () -> ()
      "tpu.region"() ({
        %run_scoped3A = tpu.sem_alloc : memref<!tpu.dma_semaphore, #tpu.memory_space<semaphore_mem>>
        %dma_start3A_221 = arith.constant 0 : i32
        %dma_start3A_222 = tpu.memref_slice %arg24[%multiple_of3A_9, %dma_start3A_221] : memref<10240x16xf32, #tpu.memory_space<vmem_shared>> -> memref<320x16xf32, #tpu.memory_space<vmem_shared>>
        %dma_start3A_223 = arith.constant 0 : i32
        %dma_start3A_224 = tpu.memref_slice %arg24[%multiple_of3A_9, %dma_start3A_223] : memref<10240x16xf32, #tpu.memory_space<vmem_shared>> -> memref<320x16xf32, #tpu.memory_space<vmem_shared>>
        tpu.enqueue_dma source(%arg22 : memref<320x16xf32, #tpu.memory_space<vmem>>) target(%dma_start3A_224 : memref<320x16xf32, #tpu.memory_space<vmem_shared>>) target_semaphore(%run_scoped3A : memref<!tpu.dma_semaphore, #tpu.memory_space<semaphore_mem>>)
        %dma_wait3A_225 = arith.constant 0 : i32
        %dma_wait3A_226 = tpu.memref_slice %arg24[%multiple_of3A_9, %dma_wait3A_225] : memref<10240x16xf32, #tpu.memory_space<vmem_shared>> -> memref<320x16xf32, #tpu.memory_space<vmem_shared>>
        %dma_wait3A_227 = arith.constant 0 : i32
        %dma_wait3A_228 = tpu.memref_slice %arg24[%multiple_of3A_9, %dma_wait3A_227] : memref<10240x16xf32, #tpu.memory_space<vmem_shared>> -> memref<320x16xf32, #tpu.memory_space<vmem_shared>>
        tpu.wait_dma2 semaphore(%run_scoped3A : memref<!tpu.dma_semaphore, #tpu.memory_space<semaphore_mem>>) src(%arg22 : memref<320x16xf32, #tpu.memory_space<vmem>>) dst(%dma_wait3A_228 : memref<320x16xf32, #tpu.memory_space<vmem_shared>>)
        tpu.yield
      }) : () -> ()
      %sub3A_201 = arith.constant 1 : i32
      %sub3A_202 = arith.subi %sub3A_201, %arg0 : i32
      %semaphore_signal3A_203 = arith.constant 1 : i32
      tpu.sem_signal %arg41, %semaphore_signal3A_203 core_id %sub3A_202 : memref<!tpu.semaphore, #tpu.memory_space<semaphore_mem>>
      %semaphore_wait3A_204 = arith.constant 1 : i32
      %semaphore_wait3A_205 = arith.constant true
      tpu.sem_wait %arg41, %semaphore_wait3A_204 : memref<!tpu.semaphore, #tpu.memory_space<semaphore_mem>>
      %sub3A_206 = arith.constant 1 : i32
      %sub3A_207 = arith.subi %sub3A_206, %arg0 : i32
      "tpu.region"() ({
        %run_scoped3A = tpu.sem_alloc : memref<!tpu.dma_semaphore, #tpu.memory_space<semaphore_mem>>
        %dma_start3A_221 = arith.constant 0 : i32
        %dma_start3A_222 = tpu.memref_slice %arg6[%sub3A_207, %multiple_of3A, %dma_start3A_221] : memref<2x10240x16xf32, #tpu.memory_space<hbm>> -> memref<1x320x16xf32, #tpu.memory_space<hbm>>
        %dma_start3A_223 = tpu.memref_squeeze %dma_start3A_222 : memref<1x320x16xf32, #tpu.memory_space<hbm>> -> memref<320x16xf32, #tpu.memory_space<hbm>>
        %dma_start3A_224 = arith.constant 0 : i32
        %dma_start3A_225 = tpu.memref_slice %arg6[%sub3A_207, %multiple_of3A, %dma_start3A_224] : memref<2x10240x16xf32, #tpu.memory_space<hbm>> -> memref<1x320x16xf32, #tpu.memory_space<hbm>>
        %dma_start3A_226 = tpu.memref_squeeze %dma_start3A_225 : memref<1x320x16xf32, #tpu.memory_space<hbm>> -> memref<320x16xf32, #tpu.memory_space<hbm>>
        tpu.enqueue_dma source(%dma_start3A_226 : memref<320x16xf32, #tpu.memory_space<hbm>>) target(%arg21 : memref<320x16xf32, #tpu.memory_space<vmem>>) target_semaphore(%run_scoped3A : memref<!tpu.dma_semaphore, #tpu.memory_space<semaphore_mem>>)
        %dma_wait3A_227 = arith.constant 0 : i32
        %dma_wait3A_228 = tpu.memref_slice %arg6[%sub3A_207, %multiple_of3A, %dma_wait3A_227] : memref<2x10240x16xf32, #tpu.memory_space<hbm>> -> memref<1x320x16xf32, #tpu.memory_space<hbm>>
        %dma_wait3A_229 = tpu.memref_squeeze %dma_wait3A_228 : memref<1x320x16xf32, #tpu.memory_space<hbm>> -> memref<320x16xf32, #tpu.memory_space<hbm>>
        %dma_wait3A_230 = arith.constant 0 : i32
        %dma_wait3A_231 = tpu.memref_slice %arg6[%sub3A_207, %multiple_of3A, %dma_wait3A_230] : memref<2x10240x16xf32, #tpu.memory_space<hbm>> -> memref<1x320x16xf32, #tpu.memory_space<hbm>>
        %dma_wait3A_232 = tpu.memref_squeeze %dma_wait3A_231 : memref<1x320x16xf32, #tpu.memory_space<hbm>> -> memref<320x16xf32, #tpu.memory_space<hbm>>
        tpu.wait_dma2 semaphore(%run_scoped3A : memref<!tpu.dma_semaphore, #tpu.memory_space<semaphore_mem>>) src(%dma_wait3A_232 : memref<320x16xf32, #tpu.memory_space<hbm>>) dst(%arg21 : memref<320x16xf32, #tpu.memory_space<vmem>>)
        tpu.yield
      }) : () -> ()
      %eq3A = arith.constant 9 : i32
      %eq3A_208 = arith.cmpi eq, %scan3A_55, %eq3A : i32
      %scan3A_209 = arith.constant 0 : i32
      %scan3A_210 = arith.constant 0 : i32
      %scan3A_211 = arith.constant 320 : i32
      %scan3A_212 = arith.addi %scan3A_210, %scan3A_211 : i32
      %scan3A_213 = arith.constant 1 : i32
      scf.for %scan3A_221 = %scan3A_210 to %scan3A_212 step %scan3A_213  : i32 {
        %get3A = arith.index_cast %scan3A_221 : i32 to index
        %get3A_222 = arith.constant 0 : index
        %get3A_223 = tpu.vector_load %arg18[%get3A, %get3A_222] {strides = array<i32>} : memref<320x16xf32, #tpu.memory_space<vmem>>, vector<1x16xf32>,
        %get3A_224 = vector.shape_cast %get3A_223 : vector<1x16xf32> to vector<16xf32>
        %mul3A_225 = arith.constant 0.899999976 : f32
        %mul3A_226 = vector.broadcast %mul3A_225 : f32 to vector<16xf32>
        %mul3A_227 = arith.mulf %mul3A_226, %get3A_224 : vector<16xf32>
        %get3A_228 = arith.index_cast %scan3A_221 : i32 to index
        %get3A_229 = arith.constant 0 : index
        %get3A_230 = tpu.vector_load %arg20[%get3A_228, %get3A_229] {strides = array<i32>} : memref<320x16xf32, #tpu.memory_space<vmem>>, vector<1x16xf32>,
        %get3A_231 = vector.shape_cast %get3A_230 : vector<1x16xf32> to vector<16xf32>
        %get3A_232 = arith.index_cast %scan3A_221 : i32 to index
        %get3A_233 = arith.constant 0 : index
        %get3A_234 = tpu.vector_load %arg21[%get3A_232, %get3A_233] {strides = array<i32>} : memref<320x16xf32, #tpu.memory_space<vmem>>, vector<1x16xf32>,
        %get3A_235 = vector.shape_cast %get3A_234 : vector<1x16xf32> to vector<16xf32>
        %add3A_236 = arith.addf %get3A_231, %get3A_235 : vector<16xf32>
        %get3A_237 = arith.index_cast %scan3A_221 : i32 to index
        %get3A_238 = arith.constant 0 : index
        %get3A_239 = tpu.vector_load %arg19[%get3A_237, %get3A_238] {strides = array<i32>} : memref<320x16xf32, #tpu.memory_space<vmem>>, vector<1x16xf32>,
        %get3A_240 = vector.shape_cast %get3A_239 : vector<1x16xf32> to vector<16xf32>
        %add3A_241 = arith.addf %add3A_236, %get3A_240 : vector<16xf32>
        %mul3A_242 = arith.mulf %mul3A_227, %add3A_241 : vector<16xf32>
        %get3A_243 = arith.index_cast %scan3A_221 : i32 to index
        %get3A_244 = arith.constant 0 : index
        %get3A_245 = tpu.vector_load %arg17[%get3A_243, %get3A_244] {strides = array<i32>} : memref<320x16xf32, #tpu.memory_space<vmem>>, vector<1x16xf32>,
        %get3A_246 = vector.shape_cast %get3A_245 : vector<1x16xf32> to vector<16xf32>
        %mul3A_247 = arith.constant 1.000000e-01 : f32
        %mul3A_248 = vector.broadcast %mul3A_247 : f32 to vector<16xf32>
        %mul3A_249 = arith.mulf %mul3A_248, %get3A_246 : vector<16xf32>
        %add3A_250 = arith.addf %mul3A_242, %mul3A_249 : vector<16xf32>
        %mul3A_251 = arith.mulf %add3A_250, %get3A_224 : vector<16xf32>
        %select_n3A = arith.select %eq3A_208, %add3A_250, %mul3A_251 : vector<16xf32>
        %swap3A = arith.index_cast %scan3A_221 : i32 to index
        %swap3A_252 = arith.constant 0 : index
        %swap3A_253 = tpu.vector_load %arg19[%swap3A, %swap3A_252] {strides = array<i32>} : memref<320x16xf32, #tpu.memory_space<vmem>>, vector<1x16xf32>,
        %swap3A_254 = vector.shape_cast %swap3A_253 : vector<1x16xf32> to vector<16xf32>
        %swap3A_255 = vector.shape_cast %select_n3A : vector<16xf32> to vector<1x16xf32>
        tpu.vector_store %arg19[%swap3A, %swap3A_252], %swap3A_255 {strides = array<i32>} : memref<320x16xf32, #tpu.memory_space<vmem>>, vector<1x16xf32>,
      }
      %scan3A_214 = arith.constant 320 : i32
      "tpu.region"() ({
        %run_scoped3A = tpu.sem_alloc : memref<!tpu.dma_semaphore, #tpu.memory_space<semaphore_mem>>
        %dma_start3A_221 = arith.constant 0 : i32
        %dma_start3A_222 = tpu.memref_slice %arg5[%multiple_of3A, %dma_start3A_221] : memref<10240x16xf32, #tpu.memory_space<hbm>> -> memref<320x16xf32, #tpu.memory_space<hbm>>
        %dma_start3A_223 = arith.constant 0 : i32
        %dma_start3A_224 = tpu.memref_slice %arg5[%multiple_of3A, %dma_start3A_223] : memref<10240x16xf32, #tpu.memory_space<hbm>> -> memref<320x16xf32, #tpu.memory_space<hbm>>
        tpu.enqueue_dma source(%arg19 : memref<320x16xf32, #tpu.memory_space<vmem>>) target(%dma_start3A_224 : memref<320x16xf32, #tpu.memory_space<hbm>>) target_semaphore(%run_scoped3A : memref<!tpu.dma_semaphore, #tpu.memory_space<semaphore_mem>>)
        %dma_wait3A_225 = arith.constant 0 : i32
        %dma_wait3A_226 = tpu.memref_slice %arg5[%multiple_of3A, %dma_wait3A_225] : memref<10240x16xf32, #tpu.memory_space<hbm>> -> memref<320x16xf32, #tpu.memory_space<hbm>>
        %dma_wait3A_227 = arith.constant 0 : i32
        %dma_wait3A_228 = tpu.memref_slice %arg5[%multiple_of3A, %dma_wait3A_227] : memref<10240x16xf32, #tpu.memory_space<hbm>> -> memref<320x16xf32, #tpu.memory_space<hbm>>
        tpu.wait_dma2 semaphore(%run_scoped3A : memref<!tpu.dma_semaphore, #tpu.memory_space<semaphore_mem>>) src(%arg19 : memref<320x16xf32, #tpu.memory_space<vmem>>) dst(%dma_wait3A_228 : memref<320x16xf32, #tpu.memory_space<hbm>>)
        tpu.yield
      }) : () -> ()
      "tpu.region"() ({
        %run_scoped3A = tpu.sem_alloc : memref<!tpu.dma_semaphore, #tpu.memory_space<semaphore_mem>>
        %dma_start3A_221 = arith.constant 0 : i32
        %dma_start3A_222 = tpu.memref_slice %arg23[%multiple_of3A, %dma_start3A_221] : memref<10240x16xf32, #tpu.memory_space<vmem_shared>> -> memref<320x16xf32, #tpu.memory_space<vmem_shared>>
        %dma_start3A_223 = arith.constant 0 : i32
        %dma_start3A_224 = tpu.memref_slice %arg23[%multiple_of3A, %dma_start3A_223] : memref<10240x16xf32, #tpu.memory_space<vmem_shared>> -> memref<320x16xf32, #tpu.memory_space<vmem_shared>>
        tpu.enqueue_dma source(%arg19 : memref<320x16xf32, #tpu.memory_space<vmem>>) target(%dma_start3A_224 : memref<320x16xf32, #tpu.memory_space<vmem_shared>>) target_semaphore(%run_scoped3A : memref<!tpu.dma_semaphore, #tpu.memory_space<semaphore_mem>>)
        %dma_wait3A_225 = arith.constant 0 : i32
        %dma_wait3A_226 = tpu.memref_slice %arg23[%multiple_of3A, %dma_wait3A_225] : memref<10240x16xf32, #tpu.memory_space<vmem_shared>> -> memref<320x16xf32, #tpu.memory_space<vmem_shared>>
        %dma_wait3A_227 = arith.constant 0 : i32
        %dma_wait3A_228 = tpu.memref_slice %arg23[%multiple_of3A, %dma_wait3A_227] : memref<10240x16xf32, #tpu.memory_space<vmem_shared>> -> memref<320x16xf32, #tpu.memory_space<vmem_shared>>
        tpu.wait_dma2 semaphore(%run_scoped3A : memref<!tpu.dma_semaphore, #tpu.memory_space<semaphore_mem>>) src(%arg19 : memref<320x16xf32, #tpu.memory_space<vmem>>) dst(%dma_wait3A_228 : memref<320x16xf32, #tpu.memory_space<vmem_shared>>)
        tpu.yield
      }) : () -> ()
      %sub3A_215 = arith.constant 1 : i32
      %sub3A_216 = arith.subi %sub3A_215, %arg0 : i32
      %semaphore_signal3A_217 = arith.constant 1 : i32
      tpu.sem_signal %arg42, %semaphore_signal3A_217 core_id %sub3A_216 : memref<!tpu.semaphore, #tpu.memory_space<semaphore_mem>>
      %semaphore_wait3A_218 = arith.constant 1 : i32
      %semaphore_wait3A_219 = arith.constant true
      tpu.sem_wait %arg42, %semaphore_wait3A_218 : memref<!tpu.semaphore, #tpu.memory_space<semaphore_mem>>
      "tpu.region"() ({
        %run_scoped3A = tpu.sem_alloc : memref<!tpu.dma_semaphore, #tpu.memory_space<semaphore_mem>>
        %dma_start3A_221 = arith.constant 0 : i32
        %dma_start3A_222 = tpu.memref_slice %arg23[%multiple_of3A_9, %dma_start3A_221] : memref<10240x16xf32, #tpu.memory_space<vmem_shared>> -> memref<320x16xf32, #tpu.memory_space<vmem_shared>>
        %dma_start3A_223 = arith.constant 0 : i32
        %dma_start3A_224 = tpu.memref_slice %arg5[%multiple_of3A_9, %dma_start3A_223] : memref<10240x16xf32, #tpu.memory_space<hbm>> -> memref<320x16xf32, #tpu.memory_space<hbm>>
        tpu.enqueue_dma source(%dma_start3A_224 : memref<320x16xf32, #tpu.memory_space<hbm>>) target(%dma_start3A_222 : memref<320x16xf32, #tpu.memory_space<vmem_shared>>) target_semaphore(%run_scoped3A : memref<!tpu.dma_semaphore, #tpu.memory_space<semaphore_mem>>)
        %dma_wait3A_225 = arith.constant 0 : i32
        %dma_wait3A_226 = tpu.memref_slice %arg23[%multiple_of3A_9, %dma_wait3A_225] : memref<10240x16xf32, #tpu.memory_space<vmem_shared>> -> memref<320x16xf32, #tpu.memory_space<vmem_shared>>
        %dma_wait3A_227 = arith.constant 0 : i32
        %dma_wait3A_228 = tpu.memref_slice %arg5[%multiple_of3A_9, %dma_wait3A_227] : memref<10240x16xf32, #tpu.memory_space<hbm>> -> memref<320x16xf32, #tpu.memory_space<hbm>>
        tpu.wait_dma2 semaphore(%run_scoped3A : memref<!tpu.dma_semaphore, #tpu.memory_space<semaphore_mem>>) src(%dma_wait3A_228 : memref<320x16xf32, #tpu.memory_space<hbm>>) dst(%dma_wait3A_226 : memref<320x16xf32, #tpu.memory_space<vmem_shared>>)
        tpu.yield
      }) : () -> ()
      %barrier3A_220 = arith.constant 0 : index
      tpu.barrier barrier_id(%barrier3A_220)
    }
    %scan3A_54 = arith.constant 10 : i32
    return
  }
}

module attributes {stable_mosaic.version = 14 : i64} {
  func.func @_mlp_body(%arg0: i32, %arg1: memref<1000x128xf32, #tpu.memory_space<vmem>>, %arg2: memref<128x64xf32, #tpu.memory_space<vmem>>, %arg3: memref<1x64xf32, #tpu.memory_space<vmem>>, %arg4: memref<64x16xf32, #tpu.memory_space<vmem>>, %arg5: memref<1x16xf32, #tpu.memory_space<vmem>>, %arg6: memref<1000x16xf32, #tpu.memory_space<vmem>>) attributes {dimension_semantics = [#tpu.dimension_semantics<arbitrary>], iteration_bounds = array<i64: 10>, scalar_prefetch = 0 : i64, scratch_operands = 0 : i64, tpu.core_type = #tpu.core_type<tc>, window_params = [{transform_indices = @transform_0, window_bounds = array<i64: 1000, 128>}, {pipeline_mode = #tpu.pipeline_mode<synchronous>, transform_indices = @transform_1, window_bounds = array<i64: 128, 64>}, {pipeline_mode = #tpu.pipeline_mode<synchronous>, transform_indices = @transform_2, window_bounds = array<i64: 1, 64>}, {pipeline_mode = #tpu.pipeline_mode<synchronous>, transform_indices = @transform_3, window_bounds = array<i64: 64, 16>}, {pipeline_mode = #tpu.pipeline_mode<synchronous>, transform_indices = @transform_4, window_bounds = array<i64: 1, 16>}, {transform_indices = @transform_5, window_bounds = array<i64: 1000, 16>}]} {
    %get3A = arith.constant 0 : index
    %get3A_0 = arith.constant 0 : index
    %get3A_1 = vector.load %arg1[%get3A, %get3A_0] : memref<1000x128xf32, #tpu.memory_space<vmem>>, vector<1000x128xf32>
    %get3A_2 = arith.constant 0 : index
    %get3A_3 = arith.constant 0 : index
    %get3A_4 = vector.load %arg2[%get3A_2, %get3A_3] : memref<128x64xf32, #tpu.memory_space<vmem>>, vector<128x64xf32>
    %dot_general3A = arith.constant dense<0.000000e+00> : vector<1000x64xf32>
    %dot_general3A_5 = tpu.matmul %get3A_1, %get3A_4, %dot_general3A {dimension_numbers = #tpu.dot_dimension_numbers<[1], [0], [0], [1], [0, 0, 1, 1], [], []>, transpose_lhs_hint = false} : vector<1000x128xf32>, vector<128x64xf32>, vector<1000x64xf32> -> vector<1000x64xf32>
    %get3A_6 = arith.constant 0 : index
    %get3A_7 = arith.constant 0 : index
    %get3A_8 = vector.load %arg3[%get3A_6, %get3A_7] : memref<1x64xf32, #tpu.memory_space<vmem>>, vector<1x64xf32>
    %add3A = vector.broadcast %get3A_8 : vector<1x64xf32> to vector<1000x64xf32>
    %add3A_9 = arith.addf %dot_general3A_5, %add3A : vector<1000x64xf32>
    %max3A = arith.constant 0.000000e+00 : f32
    %max3A_10 = vector.broadcast %max3A : f32 to vector<1000x64xf32>
    %max3A_11 = arith.maximumf %add3A_9, %max3A_10 : vector<1000x64xf32>
    %get3A_12 = arith.constant 0 : index
    %get3A_13 = arith.constant 0 : index
    %get3A_14 = vector.load %arg4[%get3A_12, %get3A_13] : memref<64x16xf32, #tpu.memory_space<vmem>>, vector<64x16xf32>
    %dot_general3A_15 = arith.constant dense<0.000000e+00> : vector<1000x16xf32>
    %dot_general3A_16 = tpu.matmul %max3A_11, %get3A_14, %dot_general3A_15 {dimension_numbers = #tpu.dot_dimension_numbers<[1], [0], [0], [1], [0, 0, 1, 1], [], []>, transpose_lhs_hint = false} : vector<1000x64xf32>, vector<64x16xf32>, vector<1000x16xf32> -> vector<1000x16xf32>
    %get3A_17 = arith.constant 0 : index
    %get3A_18 = arith.constant 0 : index
    %get3A_19 = vector.load %arg5[%get3A_17, %get3A_18] : memref<1x16xf32, #tpu.memory_space<vmem>>, vector<1x16xf32>
    %add3A_20 = vector.broadcast %get3A_19 : vector<1x16xf32> to vector<1000x16xf32>
    %add3A_21 = arith.addf %dot_general3A_16, %add3A_20 : vector<1000x16xf32>
    %swap3A = arith.constant 0 : index
    %swap3A_22 = arith.constant 0 : index
    %swap3A_23 = vector.load %arg6[%swap3A, %swap3A_22] : memref<1000x16xf32, #tpu.memory_space<vmem>>, vector<1000x16xf32>
    tpu.vector_store %arg6[%swap3A, %swap3A_22], %add3A_21 {strides = array<i32>} : memref<1000x16xf32, #tpu.memory_space<vmem>>, vector<1000x16xf32>,
    return
  }
  func.func @transform_0(%arg0: i32) -> (i32, i32) {
    %c0_i32 = arith.constant 0 : i32
    %c0_i32_0 = arith.constant 0 : i32
    return %arg0, %c0_i32 : i32, i32
  }
  func.func @transform_1(%arg0: i32) -> (i32, i32) {
    %c0_i32 = arith.constant 0 : i32
    %c0_i32_0 = arith.constant 0 : i32
    %c0_i32_1 = arith.constant 0 : i32
    return %c0_i32, %c0_i32_0 : i32, i32
  }
  func.func @transform_2(%arg0: i32) -> (i32, i32) {
    %c0_i32 = arith.constant 0 : i32
    %c0_i32_0 = arith.constant 0 : i32
    %c0_i32_1 = arith.constant 0 : i32
    return %c0_i32, %c0_i32_0 : i32, i32
  }
  func.func @transform_3(%arg0: i32) -> (i32, i32) {
    %c0_i32 = arith.constant 0 : i32
    %c0_i32_0 = arith.constant 0 : i32
    %c0_i32_1 = arith.constant 0 : i32
    return %c0_i32, %c0_i32_0 : i32, i32
  }
  func.func @transform_4(%arg0: i32) -> (i32, i32) {
    %c0_i32 = arith.constant 0 : i32
    %c0_i32_0 = arith.constant 0 : i32
    %c0_i32_1 = arith.constant 0 : i32
    return %c0_i32, %c0_i32_0 : i32, i32
  }
  func.func @transform_5(%arg0: i32) -> (i32, i32) {
    %c0_i32 = arith.constant 0 : i32
    %c0_i32_0 = arith.constant 0 : i32
    return %arg0, %c0_i32 : i32, i32
  }
}

module attributes {stable_mosaic.version = 14 : i64} {
  func.func @_logsoftmax_body(%arg0: i32, %arg1: memref<1000x16xf32, #tpu.memory_space<vmem>>, %arg2: memref<1000x16xf32, #tpu.memory_space<vmem>>) attributes {dimension_semantics = [#tpu.dimension_semantics<arbitrary>], iteration_bounds = array<i64: 10>, scalar_prefetch = 0 : i64, scratch_operands = 0 : i64, tpu.core_type = #tpu.core_type<tc>, window_params = [{transform_indices = @transform_0, window_bounds = array<i64: 1000, 16>}, {transform_indices = @transform_1, window_bounds = array<i64: 1000, 16>}]} {
    %get3A = arith.constant 0 : index
    %get3A_0 = arith.constant 0 : index
    %get3A_1 = vector.load %arg1[%get3A, %get3A_0] : memref<1000x16xf32, #tpu.memory_space<vmem>>, vector<1000x16xf32>
    %reduce_max3A = arith.constant dense<0xFF800000> : vector<1000xf32>
    %reduce_max3A_2 = vector.multi_reduction <maximumf>, %get3A_1, %reduce_max3A [1] : vector<1000x16xf32> to vector<1000xf32>
    %broadcast_in_dim3A = vector.shape_cast %reduce_max3A_2 : vector<1000xf32> to vector<1000x1xf32>
    %sub3A = vector.broadcast %broadcast_in_dim3A : vector<1000x1xf32> to vector<1000x16xf32>
    %sub3A_3 = arith.subf %get3A_1, %sub3A : vector<1000x16xf32>
    %exp3A = math.exp %sub3A_3 : vector<1000x16xf32>
    %reduce_sum3A = arith.constant dense<0.000000e+00> : vector<1000xf32>
    %reduce_sum3A_4 = vector.multi_reduction <add>, %exp3A, %reduce_sum3A [1] : vector<1000x16xf32> to vector<1000xf32>
    %broadcast_in_dim3A_5 = vector.shape_cast %reduce_sum3A_4 : vector<1000xf32> to vector<1000x1xf32>
    %log3A = math.log %broadcast_in_dim3A_5 : vector<1000x1xf32>
    %sub3A_6 = vector.broadcast %log3A : vector<1000x1xf32> to vector<1000x16xf32>
    %sub3A_7 = arith.subf %sub3A_3, %sub3A_6 : vector<1000x16xf32>
    %swap3A = arith.constant 0 : index
    %swap3A_8 = arith.constant 0 : index
    %swap3A_9 = vector.load %arg2[%swap3A, %swap3A_8] : memref<1000x16xf32, #tpu.memory_space<vmem>>, vector<1000x16xf32>
    tpu.vector_store %arg2[%swap3A, %swap3A_8], %sub3A_7 {strides = array<i32>} : memref<1000x16xf32, #tpu.memory_space<vmem>>, vector<1000x16xf32>,
    return
  }
  func.func @transform_0(%arg0: i32) -> (i32, i32) {
    %c0_i32 = arith.constant 0 : i32
    %c0_i32_0 = arith.constant 0 : i32
    return %arg0, %c0_i32 : i32, i32
  }
  func.func @transform_1(%arg0: i32) -> (i32, i32) {
    %c0_i32 = arith.constant 0 : i32
    %c0_i32_0 = arith.constant 0 : i32
    return %arg0, %c0_i32 : i32, i32
  }
}

</mosaic_0001>

<sc_bundles>
// kernel: kernel.5.cloned.1.call-start
scs
__scs_entry_jumppad:
0x0: {  	(pc) =	sbr.rel $0x88, $3  }
0x1: {  	(tag) =	ssettag $0x0;
	lr =	simm.s32 $0x1  }
0x2: {  	[smem:$0x3F9B] =	sst lr;
	_ =	strace $0xD0000000  }
0x3: {  	_ = 	snop  }
0x4: {  	_ = 	snop  }
0x5: {  	_ = 	snop  }
0x6: {  	_ = 	snop  }
0x7: {  	_ = 	snop  }
__scs_overlays_trampoline_lowered:
0x8: {  	[smem:$0x3FAA] =	sst s0  }
0x9: {  	[smem:$0x3FAB] =	sst s1  }
0xa: {  	[smem:$0x3FAC] =	sst s2  }
0xb: {  	[smem:$0x3FAD] =	sst s3  }
0xc: {  	[smem:$0x3FAE] =	sst s4  }
0xd: {  	[smem:$0x3FAF] =	sst s5  }
0xe: {  	[smem:$0x3FB0] =	sst s6  }
0xf: {  	[smem:$0x3FB1] =	sst s7  }
0x10: {  	[smem:$0x3FB2] =	sst s8  }
0x11: {  	[smem:$0x3FB3] =	sst s9;
	s0 =	simm.s32 @!p0 $0x0  }
0x12: {  	s1 =	sld [smem:$0x3F99];
	s0 =	simm.s32 @p0 $0x1  }
0x13: {  	[smem:$0x3FB4] =	sst s0;
	s0 =	simm.s32 @!p1 $0x0  }
0x14: {  	s2 =	sld [smem:$0x3F98];
	s0 =	simm.s32 @p1 $0x1  }
0x15: {  	[smem:$0x3FB5] =	sst s0;
	s0 =	simm.s32 @!p2 $0x0  }
0x16: {  	s3 =	sld [smem:$0x3FDB];
	s0 =	simm.s32 @p2 $0x1  }
0x17: {  	s4 =	simm.s32 $0x1BF5;
	[smem:$0x3FB7] =	sst s0  }
0x18: {  	s0 =	sld [smem:$0x3F9A];
	_ =	swait.ge [sflag:s4], $0x0  }
0x19: {  	s7 =	sld [smem:$0x3F9B]  }
0x1a: {  	s8 =	sadd.s32 $0xFFFFE003, lr  }
0x1b: {  	s9 =	sadd.s32 $0xFFFFFEF7, lr;
	s5 =	simm.s32 $0xFFFFFFFF;
	p2 =	slt.u32 s8, $0xFFFFF086  }
0x1c: {  	p1 =	slt.u32 s9, $0xF7A;
	s5 =	simm.s32 @!p2 $0x0  }
0x1d: {  	s5 =	simm.s32 @p1 $0x1;
	p0 =	seq.s32 s7, s2  }
0x1e: {  	s7 =	smul.u32 @!p0 $0xF7A, s2;
	p2 =	seq.s32 @!p0 s5, $0x0  }
0x1f: {  	s9 =	smul.u32 $0xF7A, s1;
	s8 =	simm.s32 @!p0 $0x1BF5;
	p2 =	por !p2, p0  }
0x20: {  	[sflag:s8] =	ssyncset.s32 @!p0 $0xFFFFF086;
	s6 =	sadd.s32 @!p0 s3, s7;
	s7 =	simm.s32 @!p0 $0x108  }
0x21: {  	s3 =	sadd.s32 s3, s9;
	s6 =	sadd.s32 @!p0 $0x88, s6;
	s7 =	simm.s32 @p2 $0x1082  }
0x22: {  	[simem:s7], [sflag:s8] =	dma.local @!p0 [hbm:s6], $0xF7A  }
0x23: {  	s9 =	sor.u32 $0xD0000000, s2;
	s6 =	simm.s32 $0x108;
	_ =	swait.ge @!p0 [sflag:s8], $0x0  }
0x24: {  	s3 =	sadd.s32 $0x88, s3;
	s6 =	simm.s32 @!p1 $0x1082;
	[sflag:s4] =	ssyncset.s32 $0xFFFFF086  }
0x25: {  	[simem:s6], [sflag:s4] =	dma.local [hbm:s3], $0xF7A  }
0x26: {  	[smem:$0x3F9B] =	sst s1;
	(tag) =	ssettag s2;
	_ =	strace s9  }
0x27: {  	s1 =	sld [smem:$0x3FAB]  }
0x28: {  	s2 =	sld [smem:$0x3FAC]  }
0x29: {  	s4 =	sld [smem:$0x3FAE]  }
0x2a: {  	p0 =	seq.s32 s5, $0x0;
	s5 =	sld [smem:$0x3FAF]  }
0x2b: {  	s6 =	sld [smem:$0x3FB0]  }
0x2c: {  	s7 =	sld [smem:$0x3FB1]  }
0x2d: {  	s3 =	simm.s32 $0x108;
	s8 =	sld [smem:$0x3FB2]  }
0x2e: {  	s3 =	simm.s32 @!p0 $0x1082;
	s9 =	sld [smem:$0x3FB3]  }
0x2f: {  	lr =	sadd.s32 s0, s3;
	s0 =	sld [smem:$0x3FAA]  }
0x30: {  	s3 =	sld [smem:$0x3FAD]  }
0x31: {  	[smem:$0x3FB6] =	sst s10  }
0x32: {  	s10 =	sld [smem:$0x3FB4];
	_ =	sdelay $0x3  }
0x33: {  	p0 =	seq.s32 s10, $0x1;
	s10 =	sld [smem:$0x3FB6];
	_ =	sdelay $0x3  }
0x34: {  	[smem:$0x3FB6] =	sst s10  }
0x35: {  	s10 =	sld [smem:$0x3FB5];
	_ =	sdelay $0x3  }
0x36: {  	p1 =	seq.s32 s10, $0x1;
	s10 =	sld [smem:$0x3FB6];
	_ =	sdelay $0x3  }
0x37: {  	[smem:$0x3FB6] =	sst s10  }
0x38: {  	s10 =	sld [smem:$0x3FB7]  }
0x39: {  	_ = 	snop;
	(pc) =	sbr.ind lr, $3  }
0x3a: {  	_ = 	snop  }
0x3b: {  	_ = 	snop  }
0x3c: {  	p2 =	seq.s32 s10, $0x1;
	s10 =	sld [smem:$0x3FB6]  }
0x3d: {  	_ =	shalt  }
0x3e: {  	_ =	shalt  }
0x3f: {  	_ =	shalt  }
0x40: {  	_ =	shalt  }
0x41: {  	_ =	shalt  }
0x42: {  	_ =	shalt  }
0x43: {  	_ =	shalt  }
0x44: {  	_ =	shalt  }
0x45: {  	_ =	shalt  }
0x46: {  	_ =	shalt  }
0x47: {  	_ =	shalt  }
0x48: {  	_ =	shalt  }
0x49: {  	_ =	shalt  }
0x4a: {  	_ =	shalt  }
0x4b: {  	_ =	shalt  }
0x4c: {  	_ =	shalt  }
0x4d: {  	_ =	shalt  }
0x4e: {  	_ =	shalt  }
0x4f: {  	_ =	shalt  }
0x50: {  	_ =	shalt  }
0x51: {  	_ =	shalt  }
0x52: {  	_ =	shalt  }
0x53: {  	_ =	shalt  }
0x54: {  	_ =	shalt  }
0x55: {  	_ =	shalt  }
0x56: {  	_ =	shalt  }
0x57: {  	_ =	shalt  }
0x58: {  	_ =	shalt  }
0x59: {  	_ =	shalt  }
0x5a: {  	_ =	shalt  }
0x5b: {  	_ =	shalt  }
0x5c: {  	_ =	shalt  }
0x5d: {  	_ =	shalt  }
0x5e: {  	_ =	shalt  }
0x5f: {  	_ =	shalt  }
0x60: {  	_ =	shalt  }
0x61: {  	_ =	shalt  }
0x62: {  	_ =	shalt  }
0x63: {  	_ =	shalt  }
0x64: {  	_ =	shalt  }
0x65: {  	_ =	shalt  }
0x66: {  	_ =	shalt  }
0x67: {  	_ =	shalt  }
0x68: {  	_ =	shalt  }
0x69: {  	_ =	shalt  }
0x6a: {  	_ =	shalt  }
0x6b: {  	_ =	shalt  }
0x6c: {  	_ =	shalt  }
0x6d: {  	_ =	shalt  }
0x6e: {  	_ =	shalt  }
0x6f: {  	_ =	shalt  }
0x70: {  	_ =	shalt  }
0x71: {  	_ =	shalt  }
0x72: {  	_ =	shalt  }
0x73: {  	_ =	shalt  }
0x74: {  	_ =	shalt  }
0x75: {  	_ =	shalt  }
0x76: {  	_ =	shalt  }
0x77: {  	_ =	shalt  }
0x78: {  	_ =	shalt  }
0x79: {  	_ =	shalt  }
0x7a: {  	_ =	shalt  }
0x7b: {  	_ =	shalt  }
0x7c: {  	_ =	shalt  }
0x7d: {  	_ =	shalt  }
0x7e: {  	_ =	shalt  }
0x7f: {  	_ =	shalt  }
0x80: {  	_ =	shalt  }
0x81: {  	_ =	shalt  }
0x82: {  	_ =	shalt  }
0x83: {  	_ =	shalt  }
0x84: {  	_ =	shalt  }
0x85: {  	_ =	shalt  }
0x86: {  	_ =	shalt  }
0x87: {  	_ =	shalt  }
.Lfunc_end0:
.L_simem_size_0:
called_computation_lowered:
.L_overlay_start_0:
0x88: {  	s2 =	sld [smem:$0x3FD9]  }
0x89: {  	s3 =	sld [smem:$0x3FFE];
	_ =	sdelay $0x1  }
0x8a: {  	s1 =	srdreg.scid  }
0x8b: {  	s0 =	sand.u32 $0x1, s1  }
0x8c: {  	s16 =	sshll.u32 s0, $0xA;
	s2 =	sadd.s32 s3, s2  }
0x8d: {  	s2 =	sadd.s32 s2, s16  }
0x8e: {  	[smem:$0x3FC2] =	sst s2  }
0x8f: {  	_ = 	snop  }
0x90: {  	(tm) =	ssettm $0x1  }
0x91: {  	s17 =	sld [smem:$0x3FFB];
	_ =	sdelay $0x3  }
0x92: {  	_ =	strace s17  }
0x93: {  	s2 =	sld [smem:$0x3FFC];
	_ =	sdelay $0x3  }
0x94: {  	_ =	strace s2  }
0x95: {  	s2 =	sld [smem:$0x3FFD];
	_ =	sdelay $0x3  }
0x96: {  	_ =	strace s2  }
0x97: {  	_ =	strace $0x8FFFFFFF  }
0x98: {  	s18 =	sld [smem:$0x3FDB];
	_ =	sdelay $0x1  }
0x99: {  	s19 =	simm.s32 $_scs_section_size  }
0x9a: {  	s4 =	simm.s32 $_size__tile_overlayer_lowered;
	s5 =	simm.s32 $_tile_overlayer_lowered  }
0x9b: {  	s22 =	simm.s32 $0x1BFF;
	s21 =	sshll.u32 s5, $0x1;
	s2 =	sadd.s32 s19, s18  }
0x9c: {  	s6 =	simm.s32 $0x0;
	s20 =	sshll.u32 s4, $0x1;
	s4 =	sadd.s32 s21, s2  }
0x9d: {  	[timem:s6], [sflag:s22] =	dma.local [hbm:s4], s20  }
0x9e: {  	_ =	swait.ge [sflag:s22], s20  }
0x9f: {  	s3 =	ssub.s32 $0x0, s20;
	[sflag:s22] =	ssyncset.done $0x0  }
0xa0: {  	[sflag:s22] =	ssyncadd.s32 s3;
	_ =	sdelay $0x1  }
0xa1: {  	s23 =	simm.s32 $0x1B8B  }
0xa2: {  	_ =	swait.ge [sflag:s23], $0x1  }
0xa3: {  	[sflag:s23] =	ssyncset.done $0x0  }
0xa4: {  	s25 =	simm.s32 $0x1B8E;
	s24 =	sld [smem:$0x3FFE];
	[sflag:s23] =	ssyncadd.s32 $0xFFFFFFFF  }
0xa5: {  	s26 =	simm.s32 $execute0_lowered;
	[smem:$0x3FD2] =	sst s25  }
0xa6: {  	s4 =	sshll.u32 s26, $0x1;
	_ =	strace $0x80000046;
	[dreg:$0x1] =	wrdreg $0xFFFFFFFF  }
0xa7: {  	s28 =	simm.s32 $_size_execute0_lowered;
	s2 =	sadd.s32 s2, s4;
	[dreg:$0x0] =	wrdreg $0x0  }
0xa8: {  	s4 =	sshll.u32 s28, $0x1;
	[dreg:$0x2] =	wrdreg s2  }
0xa9: {  	[dreg:$0x3] =	wrdreg s4  }
0xaa: {  	[dreg:$0x4] =	wrdreg $0xC0  }
0xab: {  	_ =	task [dreg:s6], $0x5FFFF  }
0xac: {  	[dreg:$0x1] =	wrdreg $0xFFFFFFFF  }
0xad: {  	[dreg:$0x0] =	wrdreg $0x60  }
0xae: {  	[dreg:$0x2] =	wrdreg s24  }
0xaf: {  	[dreg:$0x3] =	wrdreg $0x131000  }
0xb0: {  	[dreg:$0x4] =	wrdreg $0x109000  }
0xb1: {  	[dreg:$0x5] =	wrdreg $0x9  }
0xb2: {  	_ =	task.clear_ibuf [dreg:s6], $0x6FFFF;
	_ =	strace $0x90000046  }
0xb3: {  	s29 =	simm.s32 $0x9;
	_ =	strace $0x80000048  }
0xb4: {  	_ =	swait.ge [sflag:s29], $0x1  }
0xb5: {  	[sflag:s29] =	ssyncadd.s32 $0xFFFFFFFF  }
0xb6: {  	_ =	strace $0x90000048  }
0xb7: {  	_ =	sfence  }
0xb8: {  	s30 =	sld [smem:$0x0];
	_ =	sdelay $0x2  }
0xb9: {  	s31 =	sshll.u32 s1, $0xD;
	s1 =	sshrl.u32 s1, $0x2  }
0xba: {  	s3 =	sand.u32 $0x4000, s31;
	s1 =	sadd.s32 s1, s30  }
0xbb: {  	s0 =	sor.u32 s3, s0;
	s1 =	sshll.u32 s1, $0x11  }
0xbc: {  	s0 =	sor.u32 s1, s0  }
0xbd: {  	s0 =	sadd.s32 $0x8F2B, s0  }
0xbe: {  	[sflag:s0] =	ssyncadd.remote.s32 $0x1  }
0xbf: {  	_ =	sfence.sel $0xFFFF  }
0xc0: {  	[dreg:$0x0] =	wrdreg $0xFFFFFFFF;
	(pc) =	sbr.abs _section_cstart, $3  }
0xc1: {  	[dreg:$0x1] =	wrdreg $0xFFFFFFFF  }
0xc2: {  	_ =	task.clear_ibuf [dreg:s6], $0x2FFFF;
	_ =	strace $0x9FFFFFFF  }
0xc3: {  	(tm) =	ssettm $0x7FFFFFFF  }
tec
execute0_lowered:
.L_overlay_start_1:
0x0: {  	(tag) =	ssettag $0x1  }
0x1: {  	s0 =	srdreg.scid;
	s1 =	rddreg [dreg:$0x0]  }
0x2: {  	s2 =	rddreg [dreg:$0x1];
	s11 =	stileid.u32  }
0x3: {  	s3 =	rddreg [dreg:$0x2];
	s7 =	simm.s32 $0x0;
	s29 =	simm.s32 $0xD  }
0x4: {  	s28 =	simm.s32 $0x10;
	s4 =	sand.u32 $0x1, s0;
	[smem:$0x7FF] =	sst s7  }
0x5: {  	s14 =	sadd.s32 $0x24000, s1;
	s20 =	sand.u32 $0x2, s0;
	s0 =	sshrl.u32 s0, $0x2  }
0x6: {  	s5 =	sshll.u32 s4, $0x4;
	s31 =	sxor.u32 $0x1, s4;
	_ =	strace $0x80000047  }
0x7: {  	s12 =	ssub.s32 $0x2, s4;
	s4 =	smul.u32 $0x28000, s4;
	[dreg:$0xb] =	wrdreg s0  }
0x8: {  	s5 =	sor.u32 s11, s5;
	s9 =	sshll.u32 s31, $0x4;
	s17 =	smul.u32 $0x28000, s31  }
0x9: {  	s13 =	sshrl.u32 s12, $0x1;
	s21 =	sor.u32 s31, s20;
	s6 =	smul.u32 $0x1400, s5  }
0xa: {  	s20 =	simm.s32 $0x1;
	s5 =	smul.u32 $0x510, s5;
	s9 =	sor.u32 s11, s9  }
0xb: {  	s12 =	ssub.s32 s12, s13;
	s0 =	sor.u32 $0x4, s21;
	s21 =	simm.s32 $0xA  }
0xc: {  	s13 =	simm.s32 $0x5;
	s11 =	simm.s32 $0x9;
	s9 =	smul.u32 $0x1400, s9  }
0xd: {  	[dreg:$0xc] =	wrdreg s0;
	s31 =	smax.u32 s12, $0x1;
	s12 =	simm.s32 $0x3  }
0xe: {  	s8 =	sshrl.u32 s6, $0x3;
	s5 =	sadd.s32 s5, s1;
	s18 =	sadd.s32 s6, s2  }
0xf: {  	s25 =	sadd.s32 s6, s3;
	[dreg:$0x12] =	wrdreg s31;
	s10 =	sadd.s32 s8, s1  }
0x10: {  	s1 =	sadd.s32 $0x1A000, s1;
	s15 =	sadd.s32 $0xAE00, s5;
	[dreg:$0x8] =	wrdreg s18  }
0x11: {  	s5 =	sadd.s32 $0xC00, s5;
	s4 =	sadd.s32 s4, s9;
	[dreg:$0xf] =	wrdreg s25  }
0x12: {  	v0 =	vimm.f32 $3.999999910e-02;
	s19 =	sadd.s32 s9, s2;
	s24 =	sadd.s32 s14, s8;
	[dreg:$0x5] =	wrdreg s15  }
0x13: {  	(erf) = vrcp.f32 v0;
	s26 =	sadd.s32 s9, s3;
	s30 =	sshrl.u32 s9, $0x3;
	[dreg:$0x6] =	wrdreg s5  }
0x14: {  	s25 =	simm.s32 $0x4;
	s9 =	simm.s32 $0x7;
	[dreg:$0x9] =	wrdreg s19  }
0x15: {  	s8 =	simm.s32 $0x0;
	s16 =	sadd.s32 $0x15000, s10;
	[dreg:$0xe] =	wrdreg s24  }
0x16: {  	s4 =	sshrl.u32 s4, $0x3;
	s5 =	sadd.s32 s17, s6;
	[dreg:$0x10] =	wrdreg s26  }
0x17: {  	s0 =	sadd.s32 s14, s30;
	s24 =	simm.s32 $0x5100;
	s6 =	simm.s32 $0xB  }
0x18: {  	s14 =	simm.s32 $0xE;
	s17 =	simm.s32 $0x6;
	s26 =	simm.s32 $0xF  }
0x19: {  	[dreg:$0x7] =	wrdreg s16;
	s4 =	sadd.s32 s1, s4;
	s22 =	sshrl.u32 s5, $0x3  }
0x1a: {  	[dreg:$0x11] =	wrdreg s0;
	s5 =	simm.s32 $0x2;
	s16 =	simm.s32 $0xC  }
0x1b: {  	[dreg:$0xa] =	wrdreg s4;
	s23 =	sadd.s32 s1, s22;
	s22 =	simm.s32 $0x13  }
0x1c: {  	v1 =	vimm.f32 $1.000000000e+00;
	v2 =	vimm.f32 $0.0e+00;
	s4 =	simm.s32 $0x8;
	[dreg:$0xd] =	wrdreg s23;
	s23 =	simm.s32 $0x80;
	v0 =	vpop (erf)  }
.LBB2_1:
0x1d: {  	[dreg:$0x13] =	wrdreg s8  }
0x1e: {  	s1 =	simm.s32 $0x0;
	s15 =	rddreg [dreg:$0x5]  }
0x1f: {  	[tilespmem:s1], [sflag:$0x13] =	stream.linear.gather [hbm4b:s15+s1], $0x2880, $0x38;
	[tilespmem:$0x15900] =	vst v63  }
0x20: {  	_ =	swait.ge [sflag:s22], $0x2880  }
0x21: {  	[sflag:s22] =	ssyncset.done $0x0  }
0x22: {  	s19 =	simm.s32 $0x2880;
	s18 =	rddreg [dreg:$0x6];
	[sflag:s22] =	ssyncadd.s32 $0xFFFFD780  }
0x23: {  	[tilespmem:s19], [sflag:$0x13] =	stream.linear.gather [hbm4b:s18+s1], $0x2880, $0x38;
	[tilespmem:$0x15900] =	vst v63  }
0x24: {  	_ =	swait.ge [sflag:s22], $0x2880  }
0x25: {  	[sflag:s22] =	ssyncset.done $0x0  }
0x26: {  	s31 =	simm.s32 $0x9100;
	s30 =	rddreg [dreg:$0x7];
	[sflag:s22] =	ssyncadd.s32 $0xFFFFD780  }
0x27: {  	[tilespmem:s31], [sflag:$0x13] =	stream.linear.gather [hbm4b:s30+s1], $0x1400, $0x38;
	[tilespmem:$0x15900] =	vst v63  }
0x28: {  	_ =	swait.ge [sflag:s22], $0x1400  }
0x29: {  	[sflag:s22] =	ssyncset.done $0x0  }
0x2a: {  	s1 =	simm.s32 $0x0;
	[sflag:s22] =	ssyncadd.s32 $0xFFFFEC00  }
.LBB2_2:
0x2b: {  	p0 =	sne.s32 s1, $0x1FC0  }
.Ltmp0:
0x2c: {  	_ = 	snop;
	(pc) =	sbr.rel @p0 .LBB2_2-.Ltmp0, $3  }
0x2d: {  	_ =	sdelay $0x1  }
0x2e: {  	s8 =	sshra.s32 s1, $0x2  }
0x2f: {  	s1 =	sadd.s32 $0x40, s1;
	[tilespmem:s8+$0x5100] =	vst v1  }
0x30: {  	s1 =	simm.s32 $0x40;
	s8 =	simm.s32 $0x0  }
.LBB2_4:
0x31: {  	p0 =	sne.s32 s1, $0x4FC0;
	[tilespmem:s8+$0xF500] =	vst v2;
	s8 =	smov.u32 s1;
	s1 =	sadd.s32 $0x40, s1  }
.Ltmp1:
0x32: {  	(pc) =	sbr.rel @p0 .LBB2_4-.Ltmp1, $2  }
0x33: {  	_ =	sdelay $0x2  }
0x34: {  	s8 =	sshra.s32 s8, $0x2  }
0x35: {  	[tilespmem:s8+$0xF500] =	vst v2;
	s1 =	rddreg [dreg:$0x8];
	s19 =	simm.s32 $0xF500  }
0x36: {  	[spmem:s1] =	stream.linear.scatter [tilespmem:s19], [sflag:$0x13], $0x1400, $0x38;
	[tilespmem:$0x15900] =	vst v63  }
0x37: {  	_ =	swait.ge [sflag:s22], $0x1400  }
0x38: {  	[sflag:s22] =	ssyncset.done $0x0  }
0x39: {  	s30 =	rddreg [dreg:$0x9];
	[sflag:s22] =	ssyncadd.s32 $0xFFFFEC00  }
0x3a: {  	[spmem:s30] =	stream.linear.scatter [tilespmem:s19], [sflag:$0x13], $0x1400, $0x38;
	[tilespmem:$0x15900] =	vst v63  }
0x3b: {  	_ =	swait.ge [sflag:s22], $0x1400  }
0x3c: {  	[sflag:s22] =	ssyncset.done $0x0  }
0x3d: {  	[sflag:s22] =	ssyncadd.s32 $0xFFFFEC00  }
0x3e: {  	s31 =	simm.s32 $0x2880;
	[bflag:$0x0] =	sbarrier.arrive $0xFFFF  }
0x3f: {  	[spmem:s2] =	stream.indirect.scatter.add.f32 [tilespmem:s24], [sflag:$0x13], $0x10, s31, s23, $0xb8;
	[tilespmem:$0x15900] =	vst v63  }
0x40: {  	s1 =	simm.s32 $0x200;
	_ =	swait.ge [sflag:s22], $0x800  }
.LBB2_6:
0x41: {  	s8 =	sshra.s32 s1, $0x2;
	[sflag:s22] =	ssyncset.done $0x0;
	p0 =	sne.s32 s1, $0x9E00  }
.Ltmp2:
0x42: {  	s8 =	sadd.s32 $0x2880, s8;
	[sflag:s22] =	ssyncadd.s32 $0xFFFFF800;
	(pc) =	sbr.rel @p0 .LBB2_6-.Ltmp2, $3  }
0x43: {  	[spmem:s2] =	stream.indirect.scatter.add.f32 [tilespmem:s24], [sflag:$0x13], $0x10, s8, s23, $0xb8;
	[tilespmem:$0x15900] =	vst v63  }
0x44: {  	s1 =	sadd.s32 $0x200, s1;
	_ =	sdelay $0x1  }
0x45: {  	_ =	swait.ge [sflag:s22], $0x800  }
0x46: {  	[sflag:s22] =	ssyncset.done $0x0  }
0x47: {  	s10 =	stileid.u32;
	[sflag:s22] =	ssyncadd.s32 $0xFFFFF800  }
0x48: {  	s0 =	sshll.u32 s10, $0x6;
	[bflag:$0x0] =	sbarrier.arrive $0xFFFF  }
0x49: {  	s1 =	simm.s32 $0xCD00;
	s8 =	sor.u32 $0x1C13, s0;
	s7 =	rddreg [dreg:$0x8]  }
0x4a: {  	[tilespmem:s1], [sflag:$0x13] =	stream.linear.gather [spmem:s7], $0x1400, $0x38;
	[tilespmem:$0x15900] =	vst v63  }
0x4b: {  	_ =	swait.ge [sflag:s22], $0x1400;
	[dreg:$0x14] =	wrdreg s8  }
0x4c: {  	s10 =	rddreg [dreg:$0x9]  }
0x4d: {  	[sflag:s22] =	ssyncset.done $0x0;
	s19 =	rddreg [dreg:$0xa];
	s15 =	sshrl.u32 s10, $0x3  }
0x4e: {  	[sflag:s22] =	ssyncadd.s32 $0xFFFFEC00;
	[dreg:$0x15] =	wrdreg s15  }
0x4f: {  	[hbm:s19], [sflag:s8] =	dma.local [spmem:s15], $0x280  }
0x50: {  	_ =	swait.ge [sflag:s22], $0x280  }
0x51: {  	[sflag:s22] =	ssyncset.done $0x0  }
0x52: {  	s18 =	simm.s32 $0xF500;
	[sflag:s22] =	ssyncadd.s32 $0xFFFFFD80  }
0x53: {  	[spmem:s7] =	stream.linear.scatter [tilespmem:s18], [sflag:$0x13], $0x1400, $0x38;
	[tilespmem:$0x15900] =	vst v63  }
0x54: {  	_ =	swait.ge [sflag:s22], $0x1400  }
0x55: {  	[sflag:s22] =	ssyncset.done $0x0  }
0x56: {  	[sflag:s22] =	ssyncadd.s32 $0xFFFFEC00  }
0x57: {  	[spmem:s10] =	stream.linear.scatter [tilespmem:s18], [sflag:$0x13], $0x1400, $0x38;
	[tilespmem:$0x15900] =	vst v63  }
0x58: {  	_ =	swait.ge [sflag:s22], $0x1400  }
0x59: {  	[sflag:s22] =	ssyncset.done $0x0  }
0x5a: {  	[sflag:s22] =	ssyncadd.s32 $0xFFFFEC00;
	s22 =	simm.s32 $0x100000  }
0x5b: {  	s1 =	simm.s32 $0x0;
	[smem:s22], [sflag:$0x0] =	smem.add.s32 $0x0  }
0x5c: {  	_ =	swait.done [sflag:s1]  }
0x5d: {  	s24 =	ssyncread [sflag:$0x0]  }
0x5e: {  	s30 =	rddreg [dreg:$0xb]  }
0x5f: {  	s7 =	sor.u32 $0x1C11, s0;
	s15 =	rddreg [dreg:$0xc]  }
0x60: {  	[dreg:$0x17] =	wrdreg s0;
	s22 =	sshll.u32 s15, $0xE;
	s8 =	sadd.s32 s30, s24  }
0x61: {  	[sflag:s1] =	ssyncset.s32 $0x0;
	s19 =	sor.u32 s22, s7;
	s8 =	sshll.u32 s8, $0x11  }
0x62: {  	[sflag:s1] =	ssyncset.done $0x0;
	[dreg:$0x18] =	wrdreg s22;
	s8 =	sor.u32 s8, s19  }
0x63: {  	s18 =	simm.s32 $0x11;
	[dreg:$0x16] =	wrdreg s19;
	[sflag:s8] =	ssyncadd.remote.s32 $0x1  }
0x64: {  	_ =	swait.ge [sflag:s18], $0x1  }
0x65: {  	s10 =	simm.s32 $0x13;
	[sflag:s18] =	ssyncset.done $0x0  }
0x66: {  	s22 =	simm.s32 $0xE100;
	s19 =	rddreg [dreg:$0xd];
	[sflag:s18] =	ssyncadd.s32 $0xFFFFFFFF  }
0x67: {  	[tilespmem:s22], [sflag:$0x13] =	stream.linear.gather [hbm4b:s19+s1], $0x1400, $0x38;
	[tilespmem:$0x15900] =	vst v63  }
0x68: {  	_ =	swait.ge [sflag:s10], $0x1400  }
0x69: {  	[sflag:s10] =	ssyncset.done $0x0  }
0x6a: {  	s7 =	simm.s32 $0x0;
	[sflag:s10] =	ssyncadd.s32 $0xFFFFEC00  }
0x6b: {  	v3 =	vld [tilespmem:s7+$0xCD00]  }
0x6c: {  	v4 =	vld [tilespmem:s7+$0xE100];
	_ =	sdelay $0x4  }
0x6d: {  	v3 =	vadd.f32 v4, v3;
	_ =	sdelay $0x1  }
0x6e: {  	v3 =	vadd.f32 $1.000000000e+00, v3;
	_ =	sdelay $0x1  }
0x6f: {  	(erf) = vrcp.f32 v3;
	_ =	sdelay $0x3  }
0x70: {  	s22 =	simm.s32 $0x10  }
0x71: {  	v5 =	vld [tilespmem:s22+$0xE100]  }
0x72: {  	v3 =	vld [tilespmem:s22+$0xCD00];
	_ =	sdelay $0x2  }
0x73: {  	v4 =	vpop (erf)  }
0x74: {  	v6 =	vmul.f32 v4, v0  }
0x75: {  	v3 =	vadd.f32 v5, v3  }
0x76: {  	v5 =	vadd.f32 $3.999999910e-02, v6  }
0x77: {  	v3 =	vadd.f32 $1.000000000e+00, v3  }
0x78: {  	v5 =	vmul.f32 $5.000000000e-01, v5  }
0x79: {  	(erf) = vrcp.f32 v3  }
0x7a: {  	(erf) = vrcp.f32 v5;
	_ =	sdelay $0x3  }
0x7b: {  	s24 =	simm.s32 $0x20  }
0x7c: {  	v7 =	vld [tilespmem:s24+$0xE100]  }
0x7d: {  	v3 =	vld [tilespmem:s24+$0xCD00];
	_ =	sdelay $0x1  }
0x7e: {  	v6 =	vpop (erf)  }
0x7f: {  	v8 =	vpop (erf)  }
0x80: {  	v8 =	vmul.f32 v8, v4  }
0x81: {  	v3 =	vadd.f32 v7, v3  }
0x82: {  	v5 =	vadd.f32 v8, v5  }
0x83: {  	v3 =	vadd.f32 $1.000000000e+00, v3  }
0x84: {  	v5 =	vmul.f32 $5.000000000e-01, v5  }
0x85: {  	(erf) = vrcp.f32 v3;
	v7 =	vmul.f32 v6, v0  }
0x86: {  	(erf) = vrcp.f32 v5  }
0x87: {  	v3 =	vadd.f32 $3.999999910e-02, v7;
	_ =	sdelay $0x1  }
0x88: {  	v7 =	vmul.f32 $5.000000000e-01, v3;
	_ =	sdelay $0x1  }
0x89: {  	(erf) = vrcp.f32 v7;
	_ =	sdelay $0x2  }
0x8a: {  	v3 =	vpop (erf)  }
0x8b: {  	s8 =	simm.s32 $0x30;
	v8 =	vpop (erf)  }
0x8c: {  	v9 =	vld [tilespmem:s8+$0xCD00];
	v8 =	vmul.f32 v8, v4  }
0x8d: {  	v10 =	vld [tilespmem:s8+$0xE100];
	_ =	sdelay $0x1  }
0x8e: {  	v5 =	vadd.f32 v8, v5  }
0x8f: {  	v8 =	vpop (erf)  }
0x90: {  	v5 =	vmul.f32 $5.000000000e-01, v5;
	v8 =	vmul.f32 v8, v6  }
0x91: {  	v9 =	vadd.f32 v10, v9  }
0x92: {  	(erf) = vrcp.f32 v5;
	v7 =	vadd.f32 v8, v7  }
0x93: {  	v8 =	vadd.f32 $1.000000000e+00, v9  }
0x94: {  	v7 =	vmul.f32 $5.000000000e-01, v7  }
0x95: {  	v9 =	vmul.f32 v3, v0;
	(erf) = vrcp.f32 v8  }
0x96: {  	(erf) = vrcp.f32 v7  }
0x97: {  	v8 =	vadd.f32 $3.999999910e-02, v9;
	_ =	sdelay $0x1  }
0x98: {  	v8 =	vmul.f32 $5.000000000e-01, v8;
	_ =	sdelay $0x1  }
0x99: {  	(erf) = vrcp.f32 v8;
	v9 =	vpop (erf)  }
0x9a: {  	v9 =	vmul.f32 v9, v4;
	_ =	sdelay $0x1  }
0x9b: {  	s0 =	simm.s32 $0x40;
	v9 =	vadd.f32 v9, v5;
	v5 =	vpop (erf)  }
0x9c: {  	v11 =	vld [tilespmem:s0+$0xCD00];
	v10 =	vpop (erf)  }
0x9d: {  	v12 =	vld [tilespmem:s0+$0xE100];
	v9 =	vmul.f32 $5.000000000e-01, v9;
	v10 =	vmul.f32 v10, v6;
	_ =	sdelay $0x1  }
0x9e: {  	(erf) = vrcp.f32 v9;
	_ =	sdelay $0x1  }
0x9f: {  	v7 =	vadd.f32 v10, v7;
	v10 =	vpop (erf)  }
0xa0: {  	v11 =	vadd.f32 v12, v11;
	v10 =	vmul.f32 v10, v3  }
0xa1: {  	v7 =	vmul.f32 $5.000000000e-01, v7  }
0xa2: {  	v8 =	vadd.f32 v10, v8;
	v10 =	vadd.f32 $1.000000000e+00, v11  }
0xa3: {  	(erf) = vrcp.f32 v7;
	_ =	sdelay $0x1  }
0xa4: {  	v8 =	vmul.f32 $5.000000000e-01, v8  }
0xa5: {  	v11 =	vmul.f32 v5, v0;
	(erf) = vrcp.f32 v10;
	v10 =	vpop (erf)  }
0xa6: {  	(erf) = vrcp.f32 v8;
	v10 =	vmul.f32 v10, v4  }
0xa7: {  	v11 =	vadd.f32 $3.999999910e-02, v11  }
0xa8: {  	v9 =	vadd.f32 v10, v9  }
0xa9: {  	v10 =	vmul.f32 $5.000000000e-01, v11  }
0xaa: {  	v9 =	vmul.f32 $5.000000000e-01, v9  }
0xab: {  	v11 =	vpop (erf);
	(erf) = vrcp.f32 v10  }
0xac: {  	v11 =	vmul.f32 v11, v6;
	(erf) = vrcp.f32 v9;
	_ =	sdelay $0x1  }
0xad: {  	v11 =	vadd.f32 v11, v7;
	v7 =	vpop (erf)  }
0xae: {  	s18 =	simm.s32 $0x50;
	v12 =	vpop (erf)  }
0xaf: {  	v13 =	vld [tilespmem:s18+$0xCD00];
	v12 =	vmul.f32 v12, v3  }
0xb0: {  	v14 =	vld [tilespmem:s18+$0xE100];
	v11 =	vmul.f32 $5.000000000e-01, v11;
	_ =	sdelay $0x1  }
0xb1: {  	(erf) = vrcp.f32 v11;
	v8 =	vadd.f32 v12, v8  }
0xb2: {  	v12 =	vpop (erf)  }
0xb3: {  	v8 =	vmul.f32 $5.000000000e-01, v8;
	v12 =	vmul.f32 v12, v5;
	v15 =	vpop (erf)  }
0xb4: {  	v13 =	vadd.f32 v14, v13;
	v14 =	vmul.f32 v15, v4  }
0xb5: {  	(erf) = vrcp.f32 v8;
	v10 =	vadd.f32 v12, v10  }
0xb6: {  	v12 =	vadd.f32 $1.000000000e+00, v13;
	v9 =	vadd.f32 v14, v9  }
0xb7: {  	v13 =	vmul.f32 v7, v0;
	v10 =	vmul.f32 $5.000000000e-01, v10  }
0xb8: {  	(erf) = vrcp.f32 v12;
	v9 =	vmul.f32 $5.000000000e-01, v9  }
0xb9: {  	(erf) = vrcp.f32 v10  }
0xba: {  	v13 =	vadd.f32 $3.999999910e-02, v13;
	v12 =	vpop (erf);
	(erf) = vrcp.f32 v9  }
0xbb: {  	v12 =	vmul.f32 v12, v6;
	_ =	sdelay $0x1  }
0xbc: {  	v11 =	vadd.f32 v12, v11;
	v12 =	vmul.f32 $5.000000000e-01, v13  }
0xbd: {  	v13 =	vpop (erf)  }
0xbe: {  	(erf) = vrcp.f32 v12;
	v13 =	vmul.f32 v13, v3  }
0xbf: {  	v11 =	vmul.f32 $5.000000000e-01, v11  }
0xc0: {  	s10 =	simm.s32 $0x60;
	v13 =	vadd.f32 v13, v8;
	v8 =	vpop (erf)  }
0xc1: {  	v17 =	vld [tilespmem:s10+$0xE100];
	(erf) = vrcp.f32 v11;
	v14 =	vpop (erf)  }
0xc2: {  	v15 =	vld [tilespmem:s10+$0xCD00];
	v13 =	vmul.f32 $5.000000000e-01, v13;
	v14 =	vmul.f32 v14, v5;
	v16 =	vpop (erf)  }
0xc3: {  	v16 =	vmul.f32 v16, v4  }
0xc4: {  	(erf) = vrcp.f32 v13;
	v10 =	vadd.f32 v14, v10  }
0xc5: {  	v9 =	vadd.f32 v16, v9  }
0xc6: {  	v10 =	vmul.f32 $5.000000000e-01, v10  }
0xc7: {  	v14 =	vpop (erf);
	v18 =	vmul.f32 $5.000000000e-01, v9;
	v9 =	vadd.f32 v17, v15  }
0xc8: {  	v14 =	vmul.f32 v14, v7;
	(erf) = vrcp.f32 v10  }
0xc9: {  	v9 =	vadd.f32 $1.000000000e+00, v9  }
0xca: {  	v16 =	vpop (erf);
	v12 =	vadd.f32 v14, v12  }
0xcb: {  	v15 =	vmul.f32 v16, v6;
	v14 =	vmul.f32 v8, v0  }
0xcc: {  	(erf) = vrcp.f32 v18;
	v12 =	vmul.f32 $5.000000000e-01, v12  }
0xcd: {  	v11 =	vadd.f32 v15, v11;
	v14 =	vadd.f32 $3.999999910e-02, v14;
	(erf) = vrcp.f32 v9;
	v9 =	vpop (erf)  }
0xce: {  	(erf) = vrcp.f32 v12;
	v9 =	vmul.f32 v9, v3  }
0xcf: {  	v11 =	vmul.f32 $5.000000000e-01, v11  }
0xd0: {  	v9 =	vadd.f32 v9, v13  }
0xd1: {  	(erf) = vrcp.f32 v11;
	v13 =	vmul.f32 $5.000000000e-01, v14;
	v14 =	vpop (erf)  }
0xd2: {  	v15 =	vmul.f32 $5.000000000e-01, v9;
	v9 =	vmul.f32 v14, v5  }
0xd3: {  	(erf) = vrcp.f32 v13;
	_ =	sdelay $0x1  }
0xd4: {  	v14 =	vpop (erf)  }
0xd5: {  	s24 =	simm.s32 $0x70;
	v14 =	vmul.f32 v14, v4;
	v10 =	vadd.f32 v9, v10;
	v9 =	vpop (erf)  }
0xd6: {  	v19 =	vld [tilespmem:s24+$0xE100];
	(erf) = vrcp.f32 v15;
	v16 =	vpop (erf)  }
0xd7: {  	v17 =	vld [tilespmem:s24+$0xCD00];
	v14 =	vadd.f32 v14, v18;
	v10 =	vmul.f32 $5.000000000e-01, v10;
	v16 =	vmul.f32 v16, v7;
	_ =	sdelay $0x1  }
0xd8: {  	v14 =	vmul.f32 $5.000000000e-01, v14;
	(erf) = vrcp.f32 v10  }
0xd9: {  	v18 =	vpop (erf);
	v12 =	vadd.f32 v16, v12  }
0xda: {  	v18 =	vmul.f32 v18, v6;
	(erf) = vrcp.f32 v14;
	v16 =	vpop (erf)  }
0xdb: {  	v17 =	vadd.f32 v19, v17;
	v12 =	vmul.f32 $5.000000000e-01, v12;
	v16 =	vmul.f32 v16, v8  }
0xdc: {  	v11 =	vadd.f32 v18, v11  }
0xdd: {  	(erf) = vrcp.f32 v12;
	v13 =	vadd.f32 v16, v13;
	v16 =	vadd.f32 $1.000000000e+00, v17  }
0xde: {  	v11 =	vmul.f32 $5.000000000e-01, v11  }
0xdf: {  	v18 =	vpop (erf)  }
0xe0: {  	v18 =	vmul.f32 v18, v3;
	(erf) = vrcp.f32 v11  }
0xe1: {  	v13 =	vmul.f32 $5.000000000e-01, v13;
	(erf) = vrcp.f32 v16;
	v16 =	vpop (erf)  }
0xe2: {  	v17 =	vmul.f32 v9, v0;
	v15 =	vadd.f32 v18, v15;
	v16 =	vmul.f32 v16, v5  }
0xe3: {  	(erf) = vrcp.f32 v13  }
0xe4: {  	v17 =	vadd.f32 $3.999999910e-02, v17;
	v15 =	vmul.f32 $5.000000000e-01, v15;
	v18 =	vpop (erf)  }
0xe5: {  	v18 =	vmul.f32 v18, v4;
	v10 =	vadd.f32 v16, v10  }
0xe6: {  	v17 =	vmul.f32 $5.000000000e-01, v17;
	(erf) = vrcp.f32 v15;
	v16 =	vpop (erf)  }
0xe7: {  	v14 =	vadd.f32 v18, v14;
	v18 =	vmul.f32 $5.000000000e-01, v10;
	v10 =	vmul.f32 v16, v7  }
0xe8: {  	(erf) = vrcp.f32 v17  }
0xe9: {  	v16 =	vpop (erf);
	v14 =	vmul.f32 $5.000000000e-01, v14  }
0xea: {  	s15 =	simm.s32 $0x80;
	(erf) = vrcp.f32 v18;
	v16 =	vmul.f32 v16, v6;
	v12 =	vadd.f32 v10, v12  }
0xeb: {  	v20 =	vld [tilespmem:s15+$0xE100];
	(erf) = vrcp.f32 v14;
	v10 =	vpop (erf)  }
0xec: {  	v11 =	vadd.f32 v16, v11;
	v16 =	vld [tilespmem:s15+$0xCD00];
	v12 =	vmul.f32 $5.000000000e-01, v12;
	v19 =	vpop (erf)  }
0xed: {  	v19 =	vmul.f32 v19, v8  }
0xee: {  	v11 =	vmul.f32 $5.000000000e-01, v11;
	(erf) = vrcp.f32 v12  }
0xef: {  	v21 =	vpop (erf)  }
0xf0: {  	v21 =	vmul.f32 v21, v3;
	(erf) = vrcp.f32 v11  }
0xf1: {  	v13 =	vadd.f32 v19, v13;
	v16 =	vadd.f32 v20, v16;
	v19 =	vpop (erf)  }
0xf2: {  	v15 =	vadd.f32 v21, v15;
	v19 =	vmul.f32 v19, v9  }
0xf3: {  	v13 =	vmul.f32 $5.000000000e-01, v13;
	v16 =	vadd.f32 $1.000000000e+00, v16;
	v20 =	vpop (erf)  }
0xf4: {  	v15 =	vmul.f32 $5.000000000e-01, v15;
	v17 =	vadd.f32 v19, v17;
	v19 =	vmul.f32 v20, v5;
	v20 =	vpop (erf)  }
0xf5: {  	(erf) = vrcp.f32 v13;
	v20 =	vmul.f32 v20, v4  }
0xf6: {  	(erf) = vrcp.f32 v15  }
0xf7: {  	(erf) = vrcp.f32 v16;
	v17 =	vmul.f32 $5.000000000e-01, v17;
	v18 =	vadd.f32 v19, v18;
	v16 =	vpop (erf)  }
0xf8: {  	v19 =	vmul.f32 v10, v0;
	v14 =	vadd.f32 v20, v14;
	v16 =	vmul.f32 v16, v7  }
0xf9: {  	(erf) = vrcp.f32 v17;
	v18 =	vmul.f32 $5.000000000e-01, v18;
	v20 =	vpop (erf)  }
0xfa: {  	v21 =	vmul.f32 $5.000000000e-01, v14;
	v14 =	vmul.f32 v20, v6  }
0xfb: {  	v19 =	vadd.f32 $3.999999910e-02, v19  }
0xfc: {  	v12 =	vadd.f32 v16, v12;
	(erf) = vrcp.f32 v18  }
0xfd: {  	v19 =	vmul.f32 $5.000000000e-01, v19;
	(erf) = vrcp.f32 v21  }
0xfe: {  	v20 =	vmul.f32 $5.000000000e-01, v12;
	v11 =	vadd.f32 v14, v11;
	v14 =	vpop (erf)  }
0xff: {  	s31 =	simm.s32 $0x90;
	(erf) = vrcp.f32 v19;
	v12 =	vmul.f32 v14, v8  }
0x100: {  	v16 =	vld [tilespmem:s31+$0xCD00];
	v22 =	vmul.f32 $5.000000000e-01, v11;
	v14 =	vpop (erf)  }
0x101: {  	(erf) = vrcp.f32 v20;
	v14 =	vmul.f32 v14, v3;
	v12 =	vadd.f32 v12, v13;
	v13 =	vld [tilespmem:s31+$0xE100]  }
0x102: {  	v11 =	vpop (erf);
	(erf) = vrcp.f32 v22  }
0x103: {  	v23 =	vpop (erf);
	v14 =	vadd.f32 v14, v15  }
0x104: {  	v15 =	vmul.f32 v23, v9  }
0x105: {  	v12 =	vmul.f32 $5.000000000e-01, v12;
	v23 =	vpop (erf);
	v14 =	vmul.f32 $5.000000000e-01, v14  }
0x106: {  	v15 =	vadd.f32 v15, v17;
	v17 =	vmul.f32 v23, v5;
	v23 =	vpop (erf);
	v13 =	vadd.f32 v13, v16  }
0x107: {  	(erf) = vrcp.f32 v12;
	v23 =	vmul.f32 v23, v4  }
0x108: {  	v24 =	vpop (erf);
	(erf) = vrcp.f32 v14;
	v16 =	vmul.f32 $5.000000000e-01, v15  }
0x109: {  	v15 =	vadd.f32 v17, v18;
	v18 =	vmul.f32 v11, v0;
	v24 =	vmul.f32 v24, v10  }
0x10a: {  	v21 =	vadd.f32 v23, v21;
	v23 =	vadd.f32 $1.000000000e+00, v13;
	(erf) = vrcp.f32 v16;
	v13 =	vpop (erf)  }
0x10b: {  	v17 =	vmul.f32 $5.000000000e-01, v15;
	v15 =	vadd.f32 v24, v19;
	v63 =	vmul.f32 v13, v7;
	v19 =	vpop (erf)  }
0x10c: {  	v13 =	vmul.f32 $5.000000000e-01, v21;
	v21 =	vmul.f32 v19, v6  }
0x10d: {  	v18 =	vadd.f32 $3.999999910e-02, v18;
	(erf) = vrcp.f32 v17  }
0x10e: {  	v19 =	vmul.f32 $5.000000000e-01, v15;
	v20 =	vadd.f32 v63, v20;
	(erf) = vrcp.f32 v13  }
0x10f: {  	v15 =	vmul.f32 $5.000000000e-01, v18;
	(erf) = vrcp.f32 v23;
	v18 =	vadd.f32 v21, v22  }
0x110: {  	s30 =	simm.s32 $0x20;
	(erf) = vrcp.f32 v19;
	v20 =	vmul.f32 $5.000000000e-01, v20;
	v21 =	vpop (erf)  }
0x111: {  	s19 =	simm.s32 $0x280;
	[dreg:$0x4] =	wrdreg s30;
	v18 =	vmul.f32 $5.000000000e-01, v18;
	v21 =	vmul.f32 v21, v8;
	v22 =	vpop (erf)  }
.LBB2_8:
0x112: {  	_ = 	snop  }
0x113: {  	v22 =	vmul.f32 v22, v3;
	(erf) = vrcp.f32 v20;
	v23 =	vadd.f32 v21, v12  }
0x114: {  	(erf) = vrcp.f32 v18  }
0x115: {  	v14 =	vadd.f32 v22, v14;
	(erf) = vrcp.f32 v15;
	v22 =	vmul.f32 $5.000000000e-01, v23;
	v21 =	vpop (erf)  }
0x116: {  	v21 =	vmul.f32 v21, v9  }
0x117: {  	s1 =	sshra.s32 s19, $0x2;
	v23 =	vmul.f32 $5.000000000e-01, v14;
	v12 =	vpop (erf);
	(erf) = vrcp.f32 v22  }
0x118: {  	v24 =	vld [tilespmem:s1+$0xCD00];
	v14 =	vadd.f32 v21, v16;
	v16 =	vmul.f32 v12, v5;
	v12 =	vpop (erf)  }
0x119: {  	v21 =	vld [tilespmem:s1+$0xE100];
	v25 =	vpop (erf);
	(erf) = vrcp.f32 v23;
	v28 =	vmul.f32 v12, v4;
	v4 =	vmov v6  }
0x11a: {  	v6 =	vmov v3;
	v27 =	vpop (erf);
	v12 =	vmul.f32 $5.000000000e-01, v14;
	v14 =	vadd.f32 v16, v17  }
0x11b: {  	v3 =	vmovc v5;
	v5 =	vmovc v7;
	v7 =	vmov v8;
	v17 =	vld [tilespmem:s7+$0x9100];
	v27 =	vmul.f32 v27, v10;
	v13 =	vadd.f32 v28, v13  }
0x11c: {  	v8 =	vmov v9;
	v26 =	vpop (erf);
	(erf) = vrcp.f32 v12;
	v14 =	vmul.f32 $5.000000000e-01, v14  }
0x11d: {  	v16 =	vpop (erf);
	v27 =	vadd.f32 v27, v19;
	v19 =	vmul.f32 v26, v5;
	v13 =	vmul.f32 $5.000000000e-01, v13  }
0x11e: {  	v21 =	vadd.f32 v21, v24;
	v60 =	vpop (erf);
	v61 =	vmul.f32 v16, v4;
	(erf) = vrcp.f32 v14  }
0x11f: {  	v9 =	vmovc v10;
	v10 =	vmovc v11;
	v24 =	vmul.f32 v60, v11;
	v16 =	vmul.f32 $5.000000000e-01, v27;
	v19 =	vadd.f32 v19, v20  }
0x120: {  	p0 =	sne.s32 s19, $0x4FC0;
	s30 =	smov.u32 s15;
	[tilespmem:s7+$0xA500] =	vst v13;
	v13 =	vmul.f32 v13, v17;
	v20 =	vmul.f32 v25, v0;
	v18 =	vadd.f32 v61, v18;
	v11 =	vpop (erf)  }
0x121: {  	s15 =	smov.u32 s24;
	s24 =	smov.u32 s10;
	s10 =	smov.u32 s18;
	v21 =	vadd.f32 $1.000000000e+00, v21;
	v62 =	vmul.f32 v11, v7;
	v17 =	vmul.f32 $5.000000000e-01, v19  }
0x122: {  	s18 =	smov.u32 s22;
	s22 =	rddreg [dreg:$0x4];
	v15 =	vadd.f32 v24, v15;
	(erf) = vrcp.f32 v16;
	[tilespmem:s7+$0xB900] =	vst v13;
	s7 =	smov.u32 s0;
	v13 =	vmul.f32 $5.000000000e-01, v18;
	v11 =	vpop (erf)  }
.Ltmp3:
0x123: {  	s0 =	smov.u32 s22;
	s22 =	smov.u32 s8;
	v63 =	vadd.f32 $3.999999910e-02, v20;
	(erf) = vrcp.f32 v17;
	v20 =	vmul.f32 v11, v6;
	(pc) =	sbr.rel @p0 .LBB2_8-.Ltmp3, $4  }
0x124: {  	s19 =	sadd.s32 $0x40, s19;
	[dreg:$0x4] =	wrdreg s22;
	v19 =	vmul.f32 $5.000000000e-01, v15;
	v24 =	vadd.f32 v62, v22;
	(erf) = vrcp.f32 v13  }
0x125: {  	s22 =	smov.u32 s0;
	s8 =	smov.u32 s7;
	s7 =	smov.u32 s18;
	v15 =	vmul.f32 $5.000000000e-01, v63;
	(erf) = vrcp.f32 v21;
	v23 =	vadd.f32 v20, v23  }
0x126: {  	s0 =	smov.u32 s10;
	s18 =	smov.u32 s24;
	s10 =	smov.u32 s15;
	v18 =	vpop (erf);
	v20 =	vmul.f32 $5.000000000e-01, v24;
	(erf) = vrcp.f32 v19  }
0x127: {  	s24 =	smov.u32 s30;
	s15 =	smov.u32 s31;
	s31 =	smov.u32 s1;
	v11 =	vmov v25;
	v21 =	vmul.f32 v18, v8;
	v22 =	vpop (erf);
	v18 =	vmul.f32 $5.000000000e-01, v23  }
0x128: {  	v22 =	vmul.f32 v22, v3  }
0x129: {  	v12 =	vadd.f32 v21, v12  }
0x12a: {  	(erf) = vrcp.f32 v20;
	v14 =	vadd.f32 v22, v14  }
0x12b: {  	(erf) = vrcp.f32 v18;
	v21 =	vmul.f32 $5.000000000e-01, v12  }
0x12c: {  	(erf) = vrcp.f32 v15;
	v38 =	vpop (erf);
	v22 =	vmul.f32 $5.000000000e-01, v14  }
0x12d: {  	v12 =	vmul.f32 v38, v9;
	(erf) = vrcp.f32 v21  }
0x12e: {  	v39 =	vpop (erf);
	(erf) = vrcp.f32 v22  }
0x12f: {  	v23 =	vmul.f32 v39, v5  }
0x130: {  	v14 =	vpop (erf);
	v16 =	vadd.f32 v12, v16  }
0x131: {  	v17 =	vadd.f32 v23, v17;
	v12 =	vpop (erf)  }
0x132: {  	v16 =	vmul.f32 $5.000000000e-01, v16;
	v24 =	vpop (erf)  }
0x133: {  	v17 =	vmul.f32 $5.000000000e-01, v17;
	v40 =	vmul.f32 v24, v10;
	v41 =	vpop (erf)  }
0x134: {  	v26 =	vmul.f32 v12, v0;
	v42 =	vmul.f32 v41, v7;
	v43 =	vpop (erf)  }
0x135: {  	(erf) = vrcp.f32 v16;
	v19 =	vadd.f32 v40, v19;
	v25 =	vpop (erf);
	v24 =	vmul.f32 v43, v6  }
0x136: {  	(erf) = vrcp.f32 v17;
	v44 =	vadd.f32 v42, v20;
	v45 =	vmul.f32 v25, v11;
	v46 =	vpop (erf)  }
0x137: {  	v19 =	vmul.f32 $5.000000000e-01, v19;
	v47 =	vadd.f32 v24, v18;
	v48 =	vmul.f32 v46, v8;
	v49 =	vpop (erf)  }
0x138: {  	v20 =	vmul.f32 $5.000000000e-01, v44;
	v23 =	vadd.f32 v45, v15;
	v25 =	vmul.f32 v49, v3  }
0x139: {  	(erf) = vrcp.f32 v19;
	v15 =	vmul.f32 $5.000000000e-01, v47;
	v50 =	vadd.f32 v48, v21  }
0x13a: {  	(erf) = vrcp.f32 v20;
	v51 =	vmul.f32 $5.000000000e-01, v23;
	v22 =	vadd.f32 v25, v22  }
0x13b: {  	v52 =	vadd.f32 $3.999999910e-02, v26;
	(erf) = vrcp.f32 v15;
	v18 =	vmul.f32 $5.000000000e-01, v50  }
0x13c: {  	(erf) = vrcp.f32 v51;
	v22 =	vmul.f32 $5.000000000e-01, v22  }
0x13d: {  	v23 =	vmul.f32 $5.000000000e-01, v52;
	(erf) = vrcp.f32 v18  }
0x13e: {  	(erf) = vrcp.f32 v22  }
0x13f: {  	v53 =	vpop (erf);
	(erf) = vrcp.f32 v23  }
0x140: {  	v24 =	vmul.f32 v53, v9;
	v54 =	vpop (erf)  }
0x141: {  	v25 =	vmul.f32 v54, v5  }
0x142: {  	v16 =	vadd.f32 v24, v16;
	v55 =	vpop (erf)  }
0x143: {  	v25 =	vadd.f32 v25, v17;
	v56 =	vpop (erf)  }
0x144: {  	v27 =	vmul.f32 $5.000000000e-01, v16;
	v24 =	vmul.f32 v55, v10;
	v17 =	vpop (erf)  }
0x145: {  	v25 =	vmul.f32 $5.000000000e-01, v25;
	v57 =	vmul.f32 v56, v7;
	v58 =	vpop (erf)  }
0x146: {  	(erf) = vrcp.f32 v27;
	v19 =	vadd.f32 v24, v19;
	v59 =	vmul.f32 v58, v11;
	v60 =	vpop (erf)  }
0x147: {  	(erf) = vrcp.f32 v25;
	v16 =	vadd.f32 v57, v20;
	v61 =	vmul.f32 v60, v8;
	v62 =	vpop (erf)  }
0x148: {  	v19 =	vmul.f32 $5.000000000e-01, v19;
	v21 =	vadd.f32 v59, v51;
	v63 =	vpop (erf);
	v26 =	vmul.f32 v62, v3  }
0x149: {  	v28 =	vmul.f32 $5.000000000e-01, v16;
	v31 =	vadd.f32 v61, v18;
	v32 =	vmul.f32 v63, v12  }
0x14a: {  	(erf) = vrcp.f32 v19;
	v33 =	vmul.f32 $5.000000000e-01, v21;
	v34 =	vadd.f32 v26, v22  }
0x14b: {  	(erf) = vrcp.f32 v28;
	v35 =	vmul.f32 $5.000000000e-01, v31;
	v18 =	vadd.f32 v32, v23  }
0x14c: {  	(erf) = vrcp.f32 v33;
	v16 =	vmul.f32 $5.000000000e-01, v34  }
0x14d: {  	(erf) = vrcp.f32 v35;
	v36 =	vmul.f32 $5.000000000e-01, v18  }
0x14e: {  	(erf) = vrcp.f32 v16  }
0x14f: {  	(erf) = vrcp.f32 v36  }
0x150: {  	v37 =	vpop (erf)  }
0x151: {  	v38 =	vpop (erf);
	v18 =	vmul.f32 v37, v9  }
0x152: {  	v23 =	vmul.f32 v38, v5  }
0x153: {  	v18 =	vadd.f32 v18, v27;
	v39 =	vpop (erf)  }
0x154: {  	v23 =	vadd.f32 v23, v25;
	v40 =	vpop (erf)  }
0x155: {  	v41 =	vmul.f32 $5.000000000e-01, v18;
	v42 =	vmul.f32 v39, v10;
	v43 =	vpop (erf)  }
0x156: {  	v23 =	vmul.f32 $5.000000000e-01, v23;
	v25 =	vmul.f32 v40, v7;
	v44 =	vpop (erf)  }
0x157: {  	(erf) = vrcp.f32 v41;
	v19 =	vadd.f32 v42, v19;
	v24 =	vmul.f32 v43, v11;
	v18 =	vpop (erf)  }
0x158: {  	(erf) = vrcp.f32 v23;
	v25 =	vadd.f32 v25, v28;
	v27 =	vmul.f32 v44, v8;
	v45 =	vpop (erf)  }
0x159: {  	v29 =	vmul.f32 $5.000000000e-01, v19;
	v46 =	vadd.f32 v24, v33;
	v47 =	vmul.f32 v45, v12  }
0x15a: {  	v48 =	vmul.f32 $5.000000000e-01, v25;
	v22 =	vadd.f32 v27, v35  }
0x15b: {  	(erf) = vrcp.f32 v29;
	v49 =	vmul.f32 $5.000000000e-01, v46;
	v50 =	vadd.f32 v47, v36  }
0x15c: {  	(erf) = vrcp.f32 v48;
	v51 =	vmul.f32 $5.000000000e-01, v22  }
0x15d: {  	(erf) = vrcp.f32 v49;
	v21 =	vmul.f32 $5.000000000e-01, v50  }
0x15e: {  	(erf) = vrcp.f32 v51  }
0x15f: {  	(erf) = vrcp.f32 v21;
	_ =	sdelay $0x1  }
0x160: {  	v52 =	vpop (erf)  }
0x161: {  	v19 =	vmul.f32 v52, v9;
	v53 =	vpop (erf)  }
0x162: {  	v22 =	vmul.f32 v53, v5  }
0x163: {  	v19 =	vadd.f32 v19, v41;
	v54 =	vpop (erf)  }
0x164: {  	v22 =	vadd.f32 v22, v23;
	v55 =	vmul.f32 v54, v10;
	v56 =	vpop (erf)  }
0x165: {  	v57 =	vmul.f32 $5.000000000e-01, v19;
	v26 =	vmul.f32 v56, v7;
	v58 =	vpop (erf)  }
0x166: {  	v19 =	vmul.f32 $5.000000000e-01, v22;
	v59 =	vadd.f32 v55, v29;
	v60 =	vmul.f32 v58, v11;
	v61 =	vpop (erf)  }
0x167: {  	(erf) = vrcp.f32 v57;
	v24 =	vadd.f32 v26, v48;
	v62 =	vmul.f32 v61, v8;
	v63 =	vpop (erf)  }
0x168: {  	v22 =	vmul.f32 $5.000000000e-01, v59;
	v23 =	vadd.f32 v60, v49;
	v31 =	vmul.f32 v63, v12  }
0x169: {  	(erf) = vrcp.f32 v19;
	v24 =	vmul.f32 $5.000000000e-01, v24;
	v20 =	vadd.f32 v62, v51  }
0x16a: {  	(erf) = vrcp.f32 v22;
	v23 =	vmul.f32 $5.000000000e-01, v23;
	v21 =	vadd.f32 v31, v21  }
0x16b: {  	(erf) = vrcp.f32 v24;
	v20 =	vmul.f32 $5.000000000e-01, v20  }
0x16c: {  	(erf) = vrcp.f32 v23;
	v21 =	vmul.f32 $5.000000000e-01, v21  }
0x16d: {  	(erf) = vrcp.f32 v20  }
0x16e: {  	(erf) = vrcp.f32 v21;
	_ =	sdelay $0x2  }
0x16f: {  	v32 =	vpop (erf)  }
0x170: {  	v26 =	vpop (erf)  }
0x171: {  	v25 =	vmul.f32 v32, v9;
	v33 =	vpop (erf)  }
0x172: {  	v28 =	vmul.f32 v33, v10;
	v34 =	vpop (erf)  }
0x173: {  	v25 =	vadd.f32 v25, v57;
	v35 =	vmul.f32 v34, v7;
	v36 =	vpop (erf)  }
0x174: {  	v22 =	vadd.f32 v28, v22;
	v37 =	vmul.f32 v36, v11;
	v38 =	vpop (erf)  }
0x175: {  	v25 =	vmul.f32 $5.000000000e-01, v25;
	v24 =	vadd.f32 v35, v24;
	v39 =	vmul.f32 v38, v8;
	v40 =	vpop (erf)  }
0x176: {  	v22 =	vmul.f32 $5.000000000e-01, v22;
	v23 =	vadd.f32 v37, v23;
	v41 =	vmul.f32 v40, v12  }
0x177: {  	(erf) = vrcp.f32 v25;
	v24 =	vmul.f32 $5.000000000e-01, v24;
	v20 =	vadd.f32 v39, v20  }
0x178: {  	(erf) = vrcp.f32 v22;
	v23 =	vmul.f32 $5.000000000e-01, v23;
	v21 =	vadd.f32 v41, v21  }
0x179: {  	(erf) = vrcp.f32 v24;
	v20 =	vmul.f32 $5.000000000e-01, v20  }
0x17a: {  	(erf) = vrcp.f32 v23;
	v21 =	vmul.f32 $5.000000000e-01, v21  }
0x17b: {  	(erf) = vrcp.f32 v20  }
0x17c: {  	(erf) = vrcp.f32 v21;
	_ =	sdelay $0x3  }
0x17d: {  	v42 =	vpop (erf)  }
0x17e: {  	v43 =	vpop (erf)  }
0x17f: {  	v27 =	vmul.f32 v42, v9;
	v44 =	vpop (erf)  }
0x180: {  	v28 =	vmul.f32 v43, v10;
	v30 =	vpop (erf)  }
0x181: {  	v25 =	vadd.f32 v27, v25;
	v45 =	vmul.f32 v30, v11;
	v46 =	vpop (erf)  }
0x182: {  	v22 =	vadd.f32 v28, v22;
	v47 =	vmul.f32 v46, v8;
	v48 =	vpop (erf)  }
0x183: {  	v25 =	vmul.f32 $5.000000000e-01, v25;
	v23 =	vadd.f32 v45, v23;
	v49 =	vmul.f32 v48, v12  }
0x184: {  	v22 =	vmul.f32 $5.000000000e-01, v22;
	v20 =	vadd.f32 v47, v20  }
0x185: {  	(erf) = vrcp.f32 v25;
	v23 =	vmul.f32 $5.000000000e-01, v23;
	v21 =	vadd.f32 v49, v21  }
0x186: {  	(erf) = vrcp.f32 v22;
	v20 =	vmul.f32 $5.000000000e-01, v20  }
0x187: {  	(erf) = vrcp.f32 v23;
	v21 =	vmul.f32 $5.000000000e-01, v21  }
0x188: {  	(erf) = vrcp.f32 v20  }
0x189: {  	(erf) = vrcp.f32 v21;
	_ =	sdelay $0x4  }
0x18a: {  	v50 =	vpop (erf)  }
0x18b: {  	v51 =	vpop (erf)  }
0x18c: {  	v27 =	vmul.f32 v50, v9;
	v52 =	vpop (erf)  }
0x18d: {  	v28 =	vmul.f32 v51, v10;
	v31 =	vpop (erf)  }
0x18e: {  	v25 =	vadd.f32 v27, v25;
	v53 =	vmul.f32 v52, v11;
	v54 =	vpop (erf)  }
0x18f: {  	v22 =	vadd.f32 v28, v22;
	v55 =	vmul.f32 v54, v12  }
0x190: {  	v25 =	vmul.f32 $5.000000000e-01, v25;
	v23 =	vadd.f32 v53, v23  }
0x191: {  	v22 =	vmul.f32 $5.000000000e-01, v22;
	v21 =	vadd.f32 v55, v21  }
0x192: {  	(erf) = vrcp.f32 v25;
	v23 =	vmul.f32 $5.000000000e-01, v23  }
0x193: {  	(erf) = vrcp.f32 v22;
	v21 =	vmul.f32 $5.000000000e-01, v21  }
0x194: {  	(erf) = vrcp.f32 v23  }
0x195: {  	(erf) = vrcp.f32 v21;
	_ =	sdelay $0x1  }
0x196: {  	v4 =	vmul.f32 v14, v4  }
0x197: {  	v56 =	vld [tilespmem:s7+$0x9100]  }
0x198: {  	v4 =	vadd.f32 v4, v13;
	_ =	sdelay $0x1  }
0x199: {  	v4 =	vmul.f32 $5.000000000e-01, v4;
	v57 =	vpop (erf)  }
0x19a: {  	v59 =	vmul.f32 v17, v6;
	v13 =	vmul.f32 v57, v9;
	v58 =	vpop (erf)  }
0x19b: {  	v14 =	vmul.f32 v4, v56;
	v60 =	vmul.f32 v58, v10;
	v61 =	vpop (erf)  }
0x19c: {  	[tilespmem:s7+$0xA500] =	vst v4;
	v62 =	vadd.f32 v13, v25;
	v63 =	vmul.f32 v61, v11;
	v28 =	vpop (erf)  }
0x19d: {  	v6 =	vadd.f32 v59, v15;
	[tilespmem:s7+$0xB900] =	vst v14;
	v30 =	vadd.f32 v60, v22;
	v32 =	vmul.f32 v28, v12  }
0x19e: {  	v33 =	vld [tilespmem:s22+$0x9100];
	v4 =	vmul.f32 $5.000000000e-01, v62;
	v13 =	vadd.f32 v63, v23  }
0x19f: {  	v6 =	vmul.f32 $5.000000000e-01, v6;
	v14 =	vmul.f32 $5.000000000e-01, v30;
	v15 =	vadd.f32 v32, v21  }
0x1a0: {  	(erf) = vrcp.f32 v4;
	v13 =	vmul.f32 $5.000000000e-01, v13  }
0x1a1: {  	(erf) = vrcp.f32 v14;
	v15 =	vmul.f32 $5.000000000e-01, v15  }
0x1a2: {  	(erf) = vrcp.f32 v13  }
0x1a3: {  	v17 =	vmul.f32 v6, v33;
	(erf) = vrcp.f32 v15  }
0x1a4: {  	[tilespmem:s22+$0xA500] =	vst v6  }
0x1a5: {  	s1 =	rddreg [dreg:$0x4];
	v3 =	vmul.f32 v18, v3;
	[tilespmem:s22+$0xB900] =	vst v17  }
0x1a6: {  	v6 =	vld [tilespmem:s1+$0x9100]  }
0x1a7: {  	v3 =	vadd.f32 v3, v16;
	_ =	sdelay $0x1  }
0x1a8: {  	v3 =	vmul.f32 $5.000000000e-01, v3;
	v34 =	vpop (erf)  }
0x1a9: {  	v35 =	vpop (erf)  }
0x1aa: {  	v6 =	vmul.f32 v3, v6;
	v17 =	vmul.f32 v35, v10;
	v36 =	vpop (erf)  }
0x1ab: {  	[tilespmem:s1+$0xA500] =	vst v3;
	v3 =	vmul.f32 v26, v5;
	v37 =	vmul.f32 v36, v11;
	v38 =	vpop (erf)  }
0x1ac: {  	[tilespmem:s1+$0xB900] =	vst v6;
	v39 =	vadd.f32 v17, v14;
	v40 =	vmul.f32 v38, v12  }
0x1ad: {  	v3 =	vadd.f32 v3, v19;
	v41 =	vld [tilespmem:s8+$0x9100];
	v5 =	vadd.f32 v37, v13  }
0x1ae: {  	v6 =	vmul.f32 $5.000000000e-01, v39;
	v42 =	vadd.f32 v40, v15  }
0x1af: {  	v3 =	vmul.f32 $5.000000000e-01, v3;
	v5 =	vmul.f32 $5.000000000e-01, v5  }
0x1b0: {  	(erf) = vrcp.f32 v6;
	v13 =	vmul.f32 $5.000000000e-01, v42  }
0x1b1: {  	(erf) = vrcp.f32 v5  }
0x1b2: {  	v43 =	vmul.f32 v3, v41;
	(erf) = vrcp.f32 v13  }
0x1b3: {  	[tilespmem:s8+$0xA500] =	vst v3  }
0x1b4: {  	v3 =	vmul.f32 v44, v7;
	[tilespmem:s8+$0xB900] =	vst v43  }
0x1b5: {  	v44 =	vld [tilespmem:s0+$0x9100]  }
0x1b6: {  	v3 =	vadd.f32 v3, v24;
	_ =	sdelay $0x1  }
0x1b7: {  	v3 =	vmul.f32 $5.000000000e-01, v3  }
0x1b8: {  	v45 =	vpop (erf)  }
0x1b9: {  	v7 =	vmul.f32 v3, v44;
	v46 =	vpop (erf)  }
0x1ba: {  	[tilespmem:s0+$0xA500] =	vst v3;
	v3 =	vmul.f32 v46, v11;
	v47 =	vpop (erf)  }
0x1bb: {  	[tilespmem:s0+$0xB900] =	vst v7;
	v48 =	vmul.f32 v31, v8;
	v49 =	vmul.f32 v47, v12  }
0x1bc: {  	v50 =	vld [tilespmem:s18+$0x9100];
	v3 =	vadd.f32 v3, v5  }
0x1bd: {  	v51 =	vadd.f32 v48, v20;
	v52 =	vadd.f32 v49, v13  }
0x1be: {  	v3 =	vmul.f32 $5.000000000e-01, v3  }
0x1bf: {  	v5 =	vmul.f32 $5.000000000e-01, v51;
	v7 =	vmul.f32 $5.000000000e-01, v52  }
0x1c0: {  	(erf) = vrcp.f32 v3  }
0x1c1: {  	v53 =	vmul.f32 v5, v50;
	(erf) = vrcp.f32 v7  }
0x1c2: {  	[tilespmem:s18+$0xA500] =	vst v5  }
0x1c3: {  	v54 =	vmul.f32 v34, v9;
	[tilespmem:s18+$0xB900] =	vst v53  }
0x1c4: {  	v8 =	vld [tilespmem:s10+$0x9100]  }
0x1c5: {  	v4 =	vadd.f32 v54, v4;
	_ =	sdelay $0x1  }
0x1c6: {  	v4 =	vmul.f32 $5.000000000e-01, v4;
	_ =	sdelay $0x1  }
0x1c7: {  	v55 =	vmul.f32 v4, v8;
	v56 =	vpop (erf)  }
0x1c8: {  	[tilespmem:s10+$0xA500] =	vst v4;
	v57 =	vpop (erf)  }
0x1c9: {  	v58 =	vmul.f32 v45, v10;
	[tilespmem:s10+$0xB900] =	vst v55;
	v4 =	vmul.f32 v57, v12  }
0x1ca: {  	v59 =	vld [tilespmem:s24+$0x9100]  }
0x1cb: {  	v5 =	vadd.f32 v58, v6;
	v4 =	vadd.f32 v4, v7;
	_ =	sdelay $0x1  }
0x1cc: {  	v5 =	vmul.f32 $5.000000000e-01, v5;
	v4 =	vmul.f32 $5.000000000e-01, v4;
	_ =	sdelay $0x1  }
0x1cd: {  	v60 =	vmul.f32 v5, v59;
	(erf) = vrcp.f32 v4  }
0x1ce: {  	[tilespmem:s24+$0xA500] =	vst v5;
	v61 =	vmul.f32 v56, v11  }
0x1cf: {  	[tilespmem:s24+$0xB900] =	vst v60  }
0x1d0: {  	v3 =	vadd.f32 v61, v3;
	v6 =	vld [tilespmem:s15+$0x9100];
	_ =	sdelay $0x1  }
0x1d1: {  	v3 =	vmul.f32 $5.000000000e-01, v3;
	_ =	sdelay $0x2  }
0x1d2: {  	v62 =	vmul.f32 v3, v6  }
0x1d3: {  	[tilespmem:s15+$0xA500] =	vst v3;
	v3 =	vpop (erf)  }
0x1d4: {  	[tilespmem:s15+$0xB900] =	vst v62;
	v3 =	vmul.f32 v3, v12  }
0x1d5: {  	v5 =	vld [tilespmem:s31+$0x9100]  }
0x1d6: {  	v3 =	vadd.f32 v3, v4;
	_ =	sdelay $0x1  }
0x1d7: {  	v3 =	vmul.f32 $5.000000000e-01, v3;
	_ =	sdelay $0x1  }
0x1d8: {  	v63 =	vmul.f32 v3, v5  }
0x1d9: {  	[tilespmem:s31+$0xA500] =	vst v3  }
0x1da: {  	s19 =	rddreg [dreg:$0xe];
	s22 =	simm.s32 $0xB900;
	s0 =	simm.s32 $0x0;
	[tilespmem:s31+$0xB900] =	vst v63  }
0x1db: {  	[hbm4b:s19+s0] =	stream.linear.scatter [tilespmem:s22], [sflag:$0x13], $0x1400, $0x38;
	[tilespmem:$0x15900] =	vst v63  }
0x1dc: {  	s19 =	simm.s32 $0x13  }
0x1dd: {  	_ =	swait.ge [sflag:s19], $0x1400  }
0x1de: {  	[sflag:s19] =	ssyncset.done $0x0  }
0x1df: {  	s24 =	rddreg [dreg:$0xf];
	[sflag:s19] =	ssyncadd.s32 $0xFFFFEC00  }
0x1e0: {  	[spmem:s24] =	stream.linear.scatter [tilespmem:s22], [sflag:$0x13], $0x1400, $0x38;
	[tilespmem:$0x15900] =	vst v63  }
0x1e1: {  	_ =	swait.ge [sflag:s19], $0x1400  }
0x1e2: {  	[sflag:s19] =	ssyncset.done $0x0  }
0x1e3: {  	s7 =	simm.s32 $0x100000;
	[sflag:s19] =	ssyncadd.s32 $0xFFFFEC00  }
0x1e4: {  	[smem:s7], [sflag:$0x0] =	smem.add.s32 $0x0  }
0x1e5: {  	_ =	swait.done [sflag:s0]  }
0x1e6: {  	s8 =	ssyncread [sflag:$0x0]  }
0x1e7: {  	s10 =	rddreg [dreg:$0xb]  }
0x1e8: {  	s15 =	rddreg [dreg:$0x17]  }
0x1e9: {  	s18 =	rddreg [dreg:$0x18];
	s1 =	sadd.s32 s10, s8;
	s8 =	sor.u32 $0x1C12, s15  }
0x1ea: {  	[sflag:s0] =	ssyncset.s32 $0x0;
	s24 =	sor.u32 s18, s8;
	s1 =	sshll.u32 s1, $0x11  }
0x1eb: {  	[sflag:s0] =	ssyncset.done $0x0;
	s1 =	sor.u32 s1, s24  }
0x1ec: {  	s8 =	simm.s32 $0x12;
	[dreg:$0x19] =	wrdreg s24;
	[sflag:s1] =	ssyncadd.remote.s32 $0x1  }
0x1ed: {  	_ =	swait.ge [sflag:s8], $0x1  }
0x1ee: {  	s10 =	rddreg [dreg:$0x10]  }
0x1ef: {  	s18 =	rddreg [dreg:$0x11]  }
0x1f0: {  	[sflag:s8] =	ssyncset.done $0x0;
	s22 =	rddreg [dreg:$0x14];
	s15 =	sshrl.u32 s10, $0x3  }
0x1f1: {  	[sflag:s8] =	ssyncadd.s32 $0xFFFFFFFF;
	[dreg:$0x1a] =	wrdreg s15  }
0x1f2: {  	[spmem:s15], [sflag:s22] =	dma.local [hbm:s18], $0x280  }
0x1f3: {  	s30 =	simm.s32 $0x8100;
	_ =	swait.ge [sflag:s19], $0x280  }
0x1f4: {  	s31 =	simm.s32 $0x8900;
	s7 =	simm.s32 $0x6100;
	[sflag:s19] =	ssyncset.done $0x0  }
0x1f5: {  	s0 =	simm.s32 $0x5900;
	s24 =	simm.s32 $0x0;
	[sflag:s19] =	ssyncadd.s32 $0xFFFFFD80  }
0x1f6: {  	s10 =	simm.s32 $0x7100;
	s18 =	simm.s32 $0x6900;
	[bflag:$0x0] =	sbarrier.arrive $0xFFFF  }
0x1f7: {  	s15 =	simm.s32 $0x7900;
	[dreg:$0x1b] =	wrdreg s24;
	s24 =	simm.s32 $0x5100  }
.LBB2_10:
0x1f8: {  	s1 =	simm.s32 $0xF500;
	s8 =	simm.s32 $0x2800  }
0x1f9: {  	[spmem:s2] =	stream.indirect.scatter.add.f32 [tilespmem:s1], [sflag:$0xA], $0x10, s8, s23, $0xb8;
	[tilespmem:$0x15900] =	vst v63  }
0x1fa: {  	_ = 	snop  }
0x1fb: {  	[spmem:s2] =	stream.indirect.scatter.add.f32 [tilespmem:s1], [sflag:$0xB], $0x10, s8, s23, $0xb8;
	[tilespmem:$0x15900] =	vst v63  }
0x1fc: {  	_ = 	snop  }
0x1fd: {  	[spmem:s2] =	stream.indirect.scatter.add.f32 [tilespmem:s1], [sflag:$0xC], $0x10, s8, s23, $0xb8;
	[tilespmem:$0x15900] =	vst v63  }
0x1fe: {  	_ = 	snop  }
0x1ff: {  	[spmem:s2] =	stream.indirect.scatter.add.f32 [tilespmem:s1], [sflag:$0xD], $0x10, s8, s23, $0xb8;
	[tilespmem:$0x15900] =	vst v63  }
0x200: {  	_ = 	snop  }
0x201: {  	[spmem:s2] =	stream.indirect.scatter.add.f32 [tilespmem:s1], [sflag:$0xE], $0x10, s8, s23, $0xb8;
	[tilespmem:$0x15900] =	vst v63  }
0x202: {  	_ = 	snop  }
0x203: {  	[spmem:s2] =	stream.indirect.scatter.add.f32 [tilespmem:s1], [sflag:$0xF], $0x10, s8, s23, $0xb8;
	[tilespmem:$0x15900] =	vst v63  }
0x204: {  	_ = 	snop  }
0x205: {  	[spmem:s2] =	stream.indirect.scatter.add.f32 [tilespmem:s1], [sflag:$0x10], $0x10, s8, s23, $0xb8;
	[tilespmem:$0x15900] =	vst v63  }
0x206: {  	s22 =	simm.s32 $0x0  }
0x207: {  	[tilespmem:s24], [sflag:$0x1] =	stream.indirect.gather [spmem:s3], $0x10, s22, s23, $0xb8;
	[tilespmem:$0x15900] =	vst v63  }
0x208: {  	_ =	swait.ge [sflag:s20], $0x800  }
0x209: {  	[sflag:s20] =	ssyncset.done $0x0  }
0x20a: {  	[sflag:s20] =	ssyncadd.s32 $0xFFFFF800  }
0x20b: {  	_ =	swait.ge [sflag:s21], $0x800  }
0x20c: {  	[sflag:s21] =	ssyncset.done $0x0  }
0x20d: {  	s8 =	simm.s32 $0x80;
	[sflag:s21] =	ssyncadd.s32 $0xFFFFF800  }
0x20e: {  	[tilespmem:s0], [sflag:$0x2] =	stream.indirect.gather [spmem:s3], $0x10, s8, s23, $0xb8;
	[tilespmem:$0x15900] =	vst v63  }
0x20f: {  	s19 =	simm.s32 $0x2880  }
0x210: {  	[spmem:s2] =	stream.indirect.scatter.add.f32 [tilespmem:s24], [sflag:$0x9], $0x10, s19, s23, $0xb8;
	[tilespmem:$0x15900] =	vst v63  }
0x211: {  	_ =	swait.ge [sflag:s5], $0x800  }
0x212: {  	[sflag:s5] =	ssyncset.done $0x0  }
0x213: {  	[sflag:s5] =	ssyncadd.s32 $0xFFFFF800  }
0x214: {  	_ =	swait.ge [sflag:s6], $0x800  }
0x215: {  	[sflag:s6] =	ssyncset.done $0x0  }
0x216: {  	s22 =	simm.s32 $0x100;
	[sflag:s6] =	ssyncadd.s32 $0xFFFFF800  }
0x217: {  	[tilespmem:s7], [sflag:$0x3] =	stream.indirect.gather [spmem:s3], $0x10, s22, s23, $0xb8;
	[tilespmem:$0x15900] =	vst v63  }
0x218: {  	s8 =	simm.s32 $0x2900  }
0x219: {  	[spmem:s2] =	stream.indirect.scatter.add.f32 [tilespmem:s0], [sflag:$0xA], $0x10, s8, s23, $0xb8;
	[tilespmem:$0x15900] =	vst v63  }
0x21a: {  	_ =	swait.ge [sflag:s12], $0x800  }
0x21b: {  	[sflag:s12] =	ssyncset.done $0x0  }
0x21c: {  	[sflag:s12] =	ssyncadd.s32 $0xFFFFF800  }
0x21d: {  	_ =	swait.ge [sflag:s16], $0x800  }
0x21e: {  	[sflag:s16] =	ssyncset.done $0x0  }
0x21f: {  	s19 =	simm.s32 $0x180;
	[sflag:s16] =	ssyncadd.s32 $0xFFFFF800  }
0x220: {  	[tilespmem:s18], [sflag:$0x4] =	stream.indirect.gather [spmem:s3], $0x10, s19, s23, $0xb8;
	[tilespmem:$0x15900] =	vst v63  }
0x221: {  	s22 =	simm.s32 $0x2980  }
0x222: {  	[spmem:s2] =	stream.indirect.scatter.add.f32 [tilespmem:s7], [sflag:$0xB], $0x10, s22, s23, $0xb8;
	[tilespmem:$0x15900] =	vst v63  }
0x223: {  	_ =	swait.ge [sflag:s25], $0x800  }
0x224: {  	[sflag:s25] =	ssyncset.done $0x0  }
0x225: {  	[sflag:s25] =	ssyncadd.s32 $0xFFFFF800  }
0x226: {  	_ =	swait.ge [sflag:s29], $0x800  }
0x227: {  	[sflag:s29] =	ssyncset.done $0x0  }
0x228: {  	s8 =	simm.s32 $0x200;
	[sflag:s29] =	ssyncadd.s32 $0xFFFFF800  }
0x229: {  	[tilespmem:s10], [sflag:$0x5] =	stream.indirect.gather [spmem:s3], $0x10, s8, s23, $0xb8;
	[tilespmem:$0x15900] =	vst v63  }
0x22a: {  	s19 =	simm.s32 $0x2A00  }
0x22b: {  	[spmem:s2] =	stream.indirect.scatter.add.f32 [tilespmem:s18], [sflag:$0xC], $0x10, s19, s23, $0xb8;
	[tilespmem:$0x15900] =	vst v63  }
0x22c: {  	_ =	swait.ge [sflag:s13], $0x800  }
0x22d: {  	[sflag:s13] =	ssyncset.done $0x0  }
0x22e: {  	[sflag:s13] =	ssyncadd.s32 $0xFFFFF800  }
0x22f: {  	_ =	swait.ge [sflag:s14], $0x800  }
0x230: {  	[sflag:s14] =	ssyncset.done $0x0  }
0x231: {  	s22 =	simm.s32 $0x280;
	[sflag:s14] =	ssyncadd.s32 $0xFFFFF800  }
0x232: {  	[tilespmem:s15], [sflag:$0x6] =	stream.indirect.gather [spmem:s3], $0x10, s22, s23, $0xb8;
	[tilespmem:$0x15900] =	vst v63  }
0x233: {  	s8 =	simm.s32 $0x2A80  }
0x234: {  	[spmem:s2] =	stream.indirect.scatter.add.f32 [tilespmem:s10], [sflag:$0xD], $0x10, s8, s23, $0xb8;
	[tilespmem:$0x15900] =	vst v63  }
0x235: {  	_ =	swait.ge [sflag:s17], $0x800  }
0x236: {  	[sflag:s17] =	ssyncset.done $0x0  }
0x237: {  	[sflag:s17] =	ssyncadd.s32 $0xFFFFF800  }
0x238: {  	_ =	swait.ge [sflag:s26], $0x800  }
0x239: {  	[sflag:s26] =	ssyncset.done $0x0  }
0x23a: {  	s19 =	simm.s32 $0x300;
	[sflag:s26] =	ssyncadd.s32 $0xFFFFF800  }
0x23b: {  	[tilespmem:s30], [sflag:$0x7] =	stream.indirect.gather [spmem:s3], $0x10, s19, s23, $0xb8;
	[tilespmem:$0x15900] =	vst v63  }
0x23c: {  	s22 =	simm.s32 $0x2B00  }
0x23d: {  	[spmem:s2] =	stream.indirect.scatter.add.f32 [tilespmem:s15], [sflag:$0xE], $0x10, s22, s23, $0xb8;
	[tilespmem:$0x15900] =	vst v63  }
0x23e: {  	_ =	swait.ge [sflag:s9], $0x800  }
0x23f: {  	[sflag:s9] =	ssyncset.done $0x0  }
0x240: {  	[sflag:s9] =	ssyncadd.s32 $0xFFFFF800  }
0x241: {  	_ =	swait.ge [sflag:s28], $0x800  }
0x242: {  	[sflag:s28] =	ssyncset.done $0x0  }
0x243: {  	s8 =	simm.s32 $0x380;
	[sflag:s28] =	ssyncadd.s32 $0xFFFFF800  }
0x244: {  	[tilespmem:s31], [sflag:$0x8] =	stream.indirect.gather [spmem:s3], $0x10, s8, s23, $0xb8;
	[tilespmem:$0x15900] =	vst v63  }
0x245: {  	s19 =	simm.s32 $0x2B80  }
0x246: {  	[spmem:s2] =	stream.indirect.scatter.add.f32 [tilespmem:s30], [sflag:$0xF], $0x10, s19, s23, $0xb8;
	[tilespmem:$0x15900] =	vst v63  }
0x247: {  	_ =	swait.ge [sflag:s4], $0x800  }
0x248: {  	[sflag:s4] =	ssyncset.done $0x0  }
0x249: {  	[sflag:s4] =	ssyncadd.s32 $0xFFFFF800  }
0x24a: {  	_ =	swait.ge [sflag:s11], $0x800  }
0x24b: {  	s1 =	simm.s32 $0x1000;
	[sflag:s11] =	ssyncset.done $0x0  }
0x24c: {  	s22 =	simm.s32 $0x400;
	s8 =	simm.s32 $0x2C00;
	[sflag:s11] =	ssyncadd.s32 $0xFFFFF800  }
0x24d: {  	[tilespmem:s24], [sflag:$0x1] =	stream.indirect.gather [spmem:s3], $0x10, s22, s23, $0xb8;
	[tilespmem:$0x15900] =	vst v63  }
.LBB2_11:
0x24e: {  	[spmem:s2] =	stream.indirect.scatter.add.f32 [tilespmem:s31], [sflag:$0x10], $0x10, s8, s23, $0xb8;
	[tilespmem:$0x15900] =	vst v63  }
0x24f: {  	s8 =	smov.u32 s1  }
0x250: {  	p0 =	sne.s32 s1, $0x9000;
	s1 =	sadd.s32 $0x1000, s1;
	_ =	swait.ge [sflag:s20], $0x800  }
0x251: {  	[sflag:s20] =	ssyncset.done $0x0  }
0x252: {  	[sflag:s20] =	ssyncadd.s32 $0xFFFFF800  }
0x253: {  	_ =	swait.ge [sflag:s21], $0x800  }
0x254: {  	s8 =	sshra.s32 s8, $0x2;
	[sflag:s21] =	ssyncset.done $0x0  }
0x255: {  	s19 =	sadd.s32 $0x80, s8;
	[sflag:s21] =	ssyncadd.s32 $0xFFFFF800  }
0x256: {  	[tilespmem:s0], [sflag:$0x2] =	stream.indirect.gather [spmem:s3], $0x10, s19, s23, $0xb8;
	[tilespmem:$0x15900] =	vst v63  }
0x257: {  	s19 =	sadd.s32 $0x2880, s8  }
0x258: {  	[spmem:s2] =	stream.indirect.scatter.add.f32 [tilespmem:s24], [sflag:$0x9], $0x10, s19, s23, $0xb8;
	[tilespmem:$0x15900] =	vst v63  }
0x259: {  	_ =	swait.ge [sflag:s5], $0x800  }
0x25a: {  	[sflag:s5] =	ssyncset.done $0x0  }
0x25b: {  	[sflag:s5] =	ssyncadd.s32 $0xFFFFF800  }
0x25c: {  	_ =	swait.ge [sflag:s6], $0x800  }
0x25d: {  	[sflag:s6] =	ssyncset.done $0x0  }
0x25e: {  	s19 =	sadd.s32 $0x100, s8;
	[sflag:s6] =	ssyncadd.s32 $0xFFFFF800  }
0x25f: {  	[tilespmem:s7], [sflag:$0x3] =	stream.indirect.gather [spmem:s3], $0x10, s19, s23, $0xb8;
	[tilespmem:$0x15900] =	vst v63  }
0x260: {  	s19 =	sadd.s32 $0x2900, s8  }
0x261: {  	[spmem:s2] =	stream.indirect.scatter.add.f32 [tilespmem:s0], [sflag:$0xA], $0x10, s19, s23, $0xb8;
	[tilespmem:$0x15900] =	vst v63  }
0x262: {  	_ =	swait.ge [sflag:s12], $0x800  }
0x263: {  	[sflag:s12] =	ssyncset.done $0x0  }
0x264: {  	[sflag:s12] =	ssyncadd.s32 $0xFFFFF800  }
0x265: {  	_ =	swait.ge [sflag:s16], $0x800  }
0x266: {  	[sflag:s16] =	ssyncset.done $0x0  }
0x267: {  	s19 =	sadd.s32 $0x180, s8;
	[sflag:s16] =	ssyncadd.s32 $0xFFFFF800  }
0x268: {  	[tilespmem:s18], [sflag:$0x4] =	stream.indirect.gather [spmem:s3], $0x10, s19, s23, $0xb8;
	[tilespmem:$0x15900] =	vst v63  }
0x269: {  	s19 =	sadd.s32 $0x2980, s8  }
0x26a: {  	[spmem:s2] =	stream.indirect.scatter.add.f32 [tilespmem:s7], [sflag:$0xB], $0x10, s19, s23, $0xb8;
	[tilespmem:$0x15900] =	vst v63  }
0x26b: {  	_ =	swait.ge [sflag:s25], $0x800  }
0x26c: {  	[sflag:s25] =	ssyncset.done $0x0  }
0x26d: {  	[sflag:s25] =	ssyncadd.s32 $0xFFFFF800  }
0x26e: {  	_ =	swait.ge [sflag:s29], $0x800  }
0x26f: {  	[sflag:s29] =	ssyncset.done $0x0  }
0x270: {  	s19 =	sadd.s32 $0x200, s8;
	[sflag:s29] =	ssyncadd.s32 $0xFFFFF800  }
0x271: {  	[tilespmem:s10], [sflag:$0x5] =	stream.indirect.gather [spmem:s3], $0x10, s19, s23, $0xb8;
	[tilespmem:$0x15900] =	vst v63  }
0x272: {  	s19 =	sadd.s32 $0x2A00, s8  }
0x273: {  	[spmem:s2] =	stream.indirect.scatter.add.f32 [tilespmem:s18], [sflag:$0xC], $0x10, s19, s23, $0xb8;
	[tilespmem:$0x15900] =	vst v63  }
0x274: {  	_ =	swait.ge [sflag:s13], $0x800  }
0x275: {  	[sflag:s13] =	ssyncset.done $0x0  }
0x276: {  	[sflag:s13] =	ssyncadd.s32 $0xFFFFF800  }
0x277: {  	_ =	swait.ge [sflag:s14], $0x800  }
0x278: {  	[sflag:s14] =	ssyncset.done $0x0  }
0x279: {  	s19 =	sadd.s32 $0x280, s8;
	[sflag:s14] =	ssyncadd.s32 $0xFFFFF800  }
0x27a: {  	[tilespmem:s15], [sflag:$0x6] =	stream.indirect.gather [spmem:s3], $0x10, s19, s23, $0xb8;
	[tilespmem:$0x15900] =	vst v63  }
0x27b: {  	s19 =	sadd.s32 $0x2A80, s8  }
0x27c: {  	[spmem:s2] =	stream.indirect.scatter.add.f32 [tilespmem:s10], [sflag:$0xD], $0x10, s19, s23, $0xb8;
	[tilespmem:$0x15900] =	vst v63  }
0x27d: {  	_ =	swait.ge [sflag:s17], $0x800  }
0x27e: {  	[sflag:s17] =	ssyncset.done $0x0  }
0x27f: {  	[sflag:s17] =	ssyncadd.s32 $0xFFFFF800  }
0x280: {  	_ =	swait.ge [sflag:s26], $0x800  }
0x281: {  	[sflag:s26] =	ssyncset.done $0x0  }
0x282: {  	s19 =	sadd.s32 $0x300, s8;
	[sflag:s26] =	ssyncadd.s32 $0xFFFFF800  }
0x283: {  	[tilespmem:s30], [sflag:$0x7] =	stream.indirect.gather [spmem:s3], $0x10, s19, s23, $0xb8;
	[tilespmem:$0x15900] =	vst v63  }
0x284: {  	s19 =	sadd.s32 $0x2B00, s8  }
0x285: {  	[spmem:s2] =	stream.indirect.scatter.add.f32 [tilespmem:s15], [sflag:$0xE], $0x10, s19, s23, $0xb8;
	[tilespmem:$0x15900] =	vst v63  }
0x286: {  	_ =	swait.ge [sflag:s9], $0x800  }
0x287: {  	[sflag:s9] =	ssyncset.done $0x0  }
0x288: {  	[sflag:s9] =	ssyncadd.s32 $0xFFFFF800  }
0x289: {  	_ =	swait.ge [sflag:s28], $0x800  }
0x28a: {  	[sflag:s28] =	ssyncset.done $0x0  }
0x28b: {  	s19 =	sadd.s32 $0x380, s8;
	[sflag:s28] =	ssyncadd.s32 $0xFFFFF800  }
0x28c: {  	[tilespmem:s31], [sflag:$0x8] =	stream.indirect.gather [spmem:s3], $0x10, s19, s23, $0xb8;
	[tilespmem:$0x15900] =	vst v63  }
0x28d: {  	s19 =	sadd.s32 $0x2B80, s8  }
0x28e: {  	[spmem:s2] =	stream.indirect.scatter.add.f32 [tilespmem:s30], [sflag:$0xF], $0x10, s19, s23, $0xb8;
	[tilespmem:$0x15900] =	vst v63  }
0x28f: {  	_ =	swait.ge [sflag:s4], $0x800  }
0x290: {  	[sflag:s4] =	ssyncset.done $0x0  }
0x291: {  	[sflag:s4] =	ssyncadd.s32 $0xFFFFF800  }
.Ltmp4:
0x292: {  	_ =	swait.ge [sflag:s11], $0x800;
	(pc) =	sbr.rel @p0 .LBB2_11-.Ltmp4, $4  }
0x293: {  	[sflag:s11] =	ssyncset.done $0x0  }
0x294: {  	s19 =	sadd.s32 $0x400, s8;
	[sflag:s11] =	ssyncadd.s32 $0xFFFFF800  }
0x295: {  	[tilespmem:s24], [sflag:$0x1] =	stream.indirect.gather [spmem:s3], $0x10, s19, s23, $0xb8;
	[tilespmem:$0x15900] =	vst v63  }
0x296: {  	s8 =	sadd.s32 $0x2C00, s8  }
0x297: {  	[spmem:s2] =	stream.indirect.scatter.add.f32 [tilespmem:s31], [sflag:$0x10], $0x10, s8, s23, $0xb8;
	[tilespmem:$0x15900] =	vst v63  }
0x298: {  	_ =	swait.ge [sflag:s20], $0x800  }
0x299: {  	[sflag:s20] =	ssyncset.done $0x0  }
0x29a: {  	[sflag:s20] =	ssyncadd.s32 $0xFFFFF800  }
0x29b: {  	_ =	swait.ge [sflag:s21], $0x800  }
0x29c: {  	[sflag:s21] =	ssyncset.done $0x0  }
0x29d: {  	[sflag:s21] =	ssyncadd.s32 $0xFFFFF800  }
0x29e: {  	_ =	swait.ge [sflag:s6], $0x800  }
0x29f: {  	[sflag:s6] =	ssyncset.done $0x0  }
0x2a0: {  	[sflag:s6] =	ssyncadd.s32 $0xFFFFF800  }
0x2a1: {  	_ =	swait.ge [sflag:s16], $0x800  }
0x2a2: {  	[sflag:s16] =	ssyncset.done $0x0  }
0x2a3: {  	[sflag:s16] =	ssyncadd.s32 $0xFFFFF800  }
0x2a4: {  	_ =	swait.ge [sflag:s29], $0x800  }
0x2a5: {  	[sflag:s29] =	ssyncset.done $0x0  }
0x2a6: {  	[sflag:s29] =	ssyncadd.s32 $0xFFFFF800  }
0x2a7: {  	_ =	swait.ge [sflag:s14], $0x800  }
0x2a8: {  	[sflag:s14] =	ssyncset.done $0x0  }
0x2a9: {  	[sflag:s14] =	ssyncadd.s32 $0xFFFFF800  }
0x2aa: {  	_ =	swait.ge [sflag:s26], $0x800  }
0x2ab: {  	[sflag:s26] =	ssyncset.done $0x0  }
0x2ac: {  	[sflag:s26] =	ssyncadd.s32 $0xFFFFF800  }
0x2ad: {  	_ =	swait.ge [sflag:s28], $0x800  }
0x2ae: {  	[sflag:s28] =	ssyncset.done $0x0  }
0x2af: {  	[sflag:s28] =	ssyncadd.s32 $0xFFFFF800  }
0x2b0: {  	[bflag:$0x0] =	sbarrier.arrive $0xFFFF  }
0x2b1: {  	s22 =	simm.s32 $0xCD00;
	s1 =	rddreg [dreg:$0x8]  }
0x2b2: {  	[tilespmem:s22], [sflag:$0x13] =	stream.linear.gather [spmem:s1], $0x1400, $0x38;
	[tilespmem:$0x15900] =	vst v63  }
0x2b3: {  	s22 =	simm.s32 $0x13  }
0x2b4: {  	_ =	swait.ge [sflag:s22], $0x1400  }
0x2b5: {  	s8 =	rddreg [dreg:$0xa]  }
0x2b6: {  	[sflag:s22] =	ssyncset.done $0x0;
	s19 =	rddreg [dreg:$0x14]  }
0x2b7: {  	s1 =	rddreg [dreg:$0x15];
	[sflag:s22] =	ssyncadd.s32 $0xFFFFEC00  }
0x2b8: {  	[hbm:s8], [sflag:s19] =	dma.local [spmem:s1], $0x280  }
0x2b9: {  	_ =	swait.ge [sflag:s22], $0x280  }
0x2ba: {  	[sflag:s22] =	ssyncset.done $0x0  }
0x2bb: {  	s8 =	simm.s32 $0xF500;
	s19 =	rddreg [dreg:$0x8];
	[sflag:s22] =	ssyncadd.s32 $0xFFFFFD80  }
0x2bc: {  	[spmem:s19] =	stream.linear.scatter [tilespmem:s8], [sflag:$0x13], $0x1400, $0x38;
	[tilespmem:$0x15900] =	vst v63  }
0x2bd: {  	_ =	swait.ge [sflag:s22], $0x1400  }
0x2be: {  	[sflag:s22] =	ssyncset.done $0x0  }
0x2bf: {  	s19 =	rddreg [dreg:$0x9];
	[sflag:s22] =	ssyncadd.s32 $0xFFFFEC00  }
0x2c0: {  	[spmem:s19] =	stream.linear.scatter [tilespmem:s8], [sflag:$0x13], $0x1400, $0x38;
	[tilespmem:$0x15900] =	vst v63  }
0x2c1: {  	_ =	swait.ge [sflag:s22], $0x1400  }
0x2c2: {  	[sflag:s22] =	ssyncset.done $0x0  }
0x2c3: {  	s8 =	simm.s32 $0x100000;
	[sflag:s22] =	ssyncadd.s32 $0xFFFFEC00  }
0x2c4: {  	s1 =	simm.s32 $0x0;
	[smem:s8], [sflag:$0x0] =	smem.add.s32 $0x0  }
0x2c5: {  	_ =	swait.done [sflag:s1]  }
0x2c6: {  	s8 =	ssyncread [sflag:$0x0];
	_ =	sdelay $0x1  }
0x2c7: {  	s19 =	rddreg [dreg:$0xb]  }
0x2c8: {  	s8 =	sadd.s32 s19, s8  }
0x2c9: {  	[sflag:s1] =	ssyncset.s32 $0x0;
	s19 =	rddreg [dreg:$0x16];
	s8 =	sshll.u32 s8, $0x11  }
0x2ca: {  	[sflag:s1] =	ssyncset.done $0x0;
	s8 =	sor.u32 s8, s19  }
0x2cb: {  	s19 =	simm.s32 $0x11;
	[sflag:s8] =	ssyncadd.remote.s32 $0x1  }
0x2cc: {  	_ =	swait.ge [sflag:s19], $0x1  }
0x2cd: {  	[sflag:s19] =	ssyncset.done $0x0  }
0x2ce: {  	s8 =	rddreg [dreg:$0xd];
	[sflag:s19] =	ssyncadd.s32 $0xFFFFFFFF;
	s19 =	simm.s32 $0xE100  }
0x2cf: {  	[tilespmem:s19], [sflag:$0x13] =	stream.linear.gather [hbm4b:s8+s1], $0x1400, $0x38;
	[tilespmem:$0x15900] =	vst v63  }
0x2d0: {  	_ =	swait.ge [sflag:s22], $0x1400  }
0x2d1: {  	[sflag:s22] =	ssyncset.done $0x0  }
0x2d2: {  	s1 =	simm.s32 $0x0;
	[sflag:s22] =	ssyncadd.s32 $0xFFFFEC00  }
0x2d3: {  	v3 =	vld [tilespmem:s1+$0xCD00]  }
0x2d4: {  	v4 =	vld [tilespmem:s1+$0xE100]  }
0x2d5: {  	v5 =	vld [tilespmem:s1+$0xA500]  }
0x2d6: {  	v6 =	vld [tilespmem:s1+$0xB900];
	_ =	sdelay $0x1  }
0x2d7: {  	v7 =	vld [tilespmem:s1+$0x9100]  }
0x2d8: {  	v3 =	vadd.f32 v4, v3;
	_ =	sdelay $0x1  }
0x2d9: {  	v4 =	vmul.f32 $8.999999760e-01, v5;
	v3 =	vadd.f32 v6, v3;
	_ =	sdelay $0x1  }
0x2da: {  	v3 =	vmul.f32 v3, v4;
	v4 =	vmul.f32 $1.000000010e-01, v7;
	_ =	sdelay $0x1  }
0x2db: {  	v4 =	vadd.f32 v4, v3;
	_ =	sdelay $0x1  }
0x2dc: {  	s19 =	simm.s32 $0x10;
	s22 =	rddreg [dreg:$0x1b];
	v5 =	vmul.f32 v4, v5  }
0x2dd: {  	s8 =	simm.s32 $0x80;
	p0 =	seq.s32 s22, $0x9;
	v3 =	vld [tilespmem:s19+$0xCD00]  }
.LBB2_13:
0x2de: {  	p1 =	sne.s32 s8, $0x4FC0;
	v6 =	vld [tilespmem:s19+$0xE100];
	v4 =	vpsel p0, v4, v5  }
0x2df: {  	v5 =	vld [tilespmem:s19+$0xA500];
	[tilespmem:s1+$0xB900] =	vst v4;
	s1 =	smov.u32 s19  }
0x2e0: {  	v4 =	vld [tilespmem:s1+$0xB900];
	_ =	sdelay $0x1  }
0x2e1: {  	v7 =	vld [tilespmem:s1+$0x9100]  }
0x2e2: {  	v3 =	vadd.f32 v6, v3;
	_ =	sdelay $0x1  }
0x2e3: {  	v6 =	vmul.f32 $8.999999760e-01, v5;
	v3 =	vadd.f32 v4, v3;
	_ =	sdelay $0x1  }
0x2e4: {  	v3 =	vmul.f32 v3, v6;
	v4 =	vmul.f32 $1.000000010e-01, v7  }
.Ltmp5:
0x2e5: {  	(pc) =	sbr.rel @p1 .LBB2_13-.Ltmp5, $3  }
0x2e6: {  	v4 =	vadd.f32 v4, v3;
	_ =	sdelay $0x1  }
0x2e7: {  	s19 =	sshra.s32 s8, $0x2;
	v5 =	vmul.f32 v4, v5  }
0x2e8: {  	s8 =	sadd.s32 $0x40, s8;
	v3 =	vld [tilespmem:s19+$0xCD00]  }
0x2e9: {  	v6 =	vld [tilespmem:s19+$0xE100];
	v4 =	vpsel p0, v4, v5  }
0x2ea: {  	v61 =	vld [tilespmem:s19+$0xA500];
	[tilespmem:s1+$0xB900] =	vst v4  }
0x2eb: {  	v4 =	vld [tilespmem:s19+$0xB900];
	_ =	sdelay $0x1  }
0x2ec: {  	v7 =	vld [tilespmem:s19+$0x9100]  }
0x2ed: {  	v3 =	vadd.f32 v6, v3;
	_ =	sdelay $0x1  }
0x2ee: {  	v62 =	vmul.f32 $8.999999760e-01, v61;
	v3 =	vadd.f32 v4, v3;
	_ =	sdelay $0x1  }
0x2ef: {  	v63 =	vmul.f32 $1.000000010e-01, v7;
	v3 =	vmul.f32 v3, v62;
	_ =	sdelay $0x1  }
0x2f0: {  	v3 =	vadd.f32 v63, v3;
	_ =	sdelay $0x1  }
0x2f1: {  	v4 =	vmul.f32 v3, v61;
	_ =	sdelay $0x1  }
0x2f2: {  	v3 =	vpsel p0, v3, v4  }
0x2f3: {  	s8 =	simm.s32 $0x0;
	s22 =	rddreg [dreg:$0xe];
	[tilespmem:s19+$0xB900] =	vst v3;
	s19 =	simm.s32 $0xB900  }
0x2f4: {  	[hbm4b:s22+s8] =	stream.linear.scatter [tilespmem:s19], [sflag:$0x13], $0x1400, $0x38;
	[tilespmem:$0x15900] =	vst v63  }
0x2f5: {  	s22 =	simm.s32 $0x13  }
0x2f6: {  	_ =	swait.ge [sflag:s22], $0x1400  }
0x2f7: {  	[sflag:s22] =	ssyncset.done $0x0  }
0x2f8: {  	s1 =	rddreg [dreg:$0xf];
	[sflag:s22] =	ssyncadd.s32 $0xFFFFEC00  }
0x2f9: {  	[spmem:s1] =	stream.linear.scatter [tilespmem:s19], [sflag:$0x13], $0x1400, $0x38;
	[tilespmem:$0x15900] =	vst v63  }
0x2fa: {  	_ =	swait.ge [sflag:s22], $0x1400  }
0x2fb: {  	[sflag:s22] =	ssyncset.done $0x0  }
0x2fc: {  	s19 =	simm.s32 $0x100000;
	[sflag:s22] =	ssyncadd.s32 $0xFFFFEC00  }
0x2fd: {  	[smem:s19], [sflag:$0x0] =	smem.add.s32 $0x0  }
0x2fe: {  	_ =	swait.done [sflag:s8]  }
0x2ff: {  	s1 =	ssyncread [sflag:$0x0];
	_ =	sdelay $0x1  }
0x300: {  	s19 =	rddreg [dreg:$0xb]  }
0x301: {  	s1 =	sadd.s32 s19, s1  }
0x302: {  	[sflag:s8] =	ssyncset.s32 $0x0;
	s19 =	rddreg [dreg:$0x19];
	s1 =	sshll.u32 s1, $0x11  }
0x303: {  	[sflag:s8] =	ssyncset.done $0x0;
	s1 =	sor.u32 s1, s19  }
0x304: {  	s8 =	simm.s32 $0x12;
	[sflag:s1] =	ssyncadd.remote.s32 $0x1  }
0x305: {  	_ =	swait.ge [sflag:s8], $0x1  }
0x306: {  	s1 =	rddreg [dreg:$0x11]  }
0x307: {  	[sflag:s8] =	ssyncset.done $0x0;
	s19 =	rddreg [dreg:$0x1a]  }
0x308: {  	[sflag:s8] =	ssyncadd.s32 $0xFFFFFFFF;
	s8 =	rddreg [dreg:$0x14]  }
0x309: {  	[spmem:s19], [sflag:s8] =	dma.local [hbm:s1], $0x280  }
0x30a: {  	_ =	swait.ge [sflag:s22], $0x280  }
0x30b: {  	s19 =	rddreg [dreg:$0x1b]  }
0x30c: {  	s1 =	sadd.s32 $0x1, s19  }
0x30d: {  	p0 =	sne.s32 s1, $0xA  }
.Ltmp6:
0x30e: {  	_ = 	snop;
	(pc) =	sbr.rel @p0 .LBB2_10-.Ltmp6, $3  }
0x30f: {  	[sflag:s22] =	ssyncset.done $0x0  }
0x310: {  	[sflag:s22] =	ssyncadd.s32 $0xFFFFFD80;
	[dreg:$0x1b] =	wrdreg s1  }
0x311: {  	[bflag:$0x0] =	sbarrier.arrive $0xFFFF;
	_ =	sdelay $0x1  }
0x312: {  	s8 =	rddreg [dreg:$0x13]  }
0x313: {  	s1 =	rddreg [dreg:$0x12];
	s8 =	sadd.s32 $0x1, s8  }
0x314: {  	p0 =	sne.s32 s8, s1  }
.Ltmp7:
0x315: {  	_ = 	snop;
	(pc) =	sbr.rel @p0 .LBB2_1-.Ltmp7, $2  }
0x316: {  	_ =	sdelay $0x2  }
0x317: {  	s22 =	simm.s32 $0x13  }
0x318: {  	_ =	sfence.sel $0x180000  }
0x319: {  	[bflag:$0x0] =	sbarrier.arrive $0xFFFF  }
0x31a: {  	_ =	strace $0x90000047  }
0x31b: {  	s0 =	stileid.u32;
	[bflag:$0x2] =	sbarrier.arrive $0xFFFF  }
0x31c: {  	p0 =	sne.s32 s0, $0x0;
	s0 =	rddreg [dreg:$0x3]  }
0x31d: {  	s0 =	sadd.s32 @!p0 $0x100000, s0  }
0x31e: {  	[sflag:s0] =	ssyncadd.tile.s32 @!p0 $0x1;
	_ =	shalt  }
.Lfunc_end2:
_tile_overlayer_lowered:
.L_overlay_start_2:
0x31f: {  	(tag) =	ssettag $0x2  }
0x320: {  	s0 =	rddreg [dreg:$0x0];
	s2 =	stileid.u32  }
0x321: {  	s1 =	rddreg [dreg:$0x1];
	p0 =	sne.s32 s2, $0x0  }
0x322: {  	s3 =	rddreg [dreg:$0x2];
	[bflag:$0x3] =	sbarrier.arrive $0xFFFF;
	s2 =	simm.s32 @!p0 $0x1C13  }
0x323: {  	[timem:s3], [sflag:s2] =	dma.local @!p0 [hbm:s0], s1  }
0x324: {  	s0 =	simm.s32 @!p0 $0x13  }
0x325: {  	_ =	swait.ge @!p0 [sflag:s0], s1  }
0x326: {  	s1 =	ssub.s32 @!p0 $0x0, s1;
	[sflag:s0] =	ssyncset.done @!p0 $0x0  }
0x327: {  	[sflag:s0] =	ssyncadd.s32 @!p0 s1  }
0x328: {  	[bflag:$0x3] =	sbarrier.arrive $0xFFFF  }
0x329: {  	_ =	shalt  }

</sc_bundles>
